<compile_context>
chip_gen: v7x
topology: tpu7x:2x2x1
jax: 0.10.2.dev20260603
libtpu: 0.0.44.dev20260713+nightly
codegen_flags: <defaults>
</compile_context>

<pallas_src>
import functools

import jax
import jax.numpy as jnp
from jax import lax
from jax.experimental import pallas as pl
from jax.experimental.pallas import tpu as pltpu
from jax.experimental.pallas import tpu_sc as plsc

M = 1_000_000
D = 64
B = 16384
L = 16
NC, NS = 2, 16
NW = NC * NS
R = M // NW
NCHUNK = B // L
CW = 128
GROUPS = CW // L

_mesh = plsc.VectorSubcoreMesh(core_axis_name="c", subcore_axis_name="s")


@functools.partial(
    pl.kernel,
    mesh=_mesh,
    out_type=(),
    compiler_params=pltpu.CompilerParams(
        needs_layout_passes=False, use_tc_tiling_on_sc=False),
    scratch_types=[
        pltpu.VMEM((B,), jnp.int32),
        pltpu.VMEM((R,), jnp.int32),
        pltpu.VMEM((B,), jnp.int32),
        pltpu.VMEM((B,), jnp.int32),
        pltpu.VMEM((1, CW), jnp.int32),
        pltpu.VMEM((1, CW), jnp.int32),
        pltpu.VMEM((CW, D), jnp.float32),
        pltpu.SemaphoreType.DMA,
    ],
)
def _scatter(out_hbm, idx_hbm, val_hbm,
             idx_v, tab_v, sel_row, sel_pos, dma_row, dma_pos, rows_v, sem):
  c = lax.axis_index("c")
  s = lax.axis_index("s")
  wid = s * NC + c
  base = wid * R

  pltpu.sync_copy(idx_hbm, idx_v)

  lanes = lax.iota(jnp.int32, L)

  def mark(k, carry):
    iv = idx_v[pl.ds(k * L, L)]
    m = (iv >= base) & (iv < base + R)
    loc = jnp.clip(iv - base, 0, R - 1)
    pos = k * L + lanes
    plsc.store_scatter(tab_v, [loc], pos, mask=m)
    return carry

  lax.fori_loop(0, NCHUNK, mark, 0)

  def compact(k, cnt):
    iv = idx_v[pl.ds(k * L, L)]
    m = (iv >= base) & (iv < base + R)
    loc = jnp.clip(iv - base, 0, R - 1)
    pos = k * L + lanes
    g = plsc.load_gather(tab_v, [loc], mask=m)
    win = m & (g == pos)
    plsc.store_compressed(sel_row.at[pl.ds(cnt, L)], iv, mask=win)
    plsc.store_compressed(sel_pos.at[pl.ds(cnt, L)], pos, mask=win)
    return cnt + jnp.max(plsc.all_reduce_population_count(win))

  n = lax.fori_loop(0, NCHUNK, compact, jnp.int32(0))

  nch = (n + CW - 1) // CW

  def move(ci, carry):
    start = ci * CW
    last = n - 1
    for g in range(GROUPS):
      offs = jnp.minimum(start + g * L + lanes, last)
      dma_row[0, pl.ds(g * L, L)] = plsc.load_gather(sel_row, [offs])
      dma_pos[0, pl.ds(g * L, L)] = plsc.load_gather(sel_pos, [offs])
    pltpu.async_copy(val_hbm.at[dma_pos.at[0]], rows_v, sem).wait()
    pltpu.async_copy(rows_v, out_hbm.at[dma_row.at[0]], sem).wait()
    return carry

  lax.fori_loop(0, nch, move, 0)


def kernel(mem, idx, val):
  out = jax.new_ref(mem)
  _scatter(out, idx.astype(jnp.int32), val)
  return jax.freeze(out)

# --- scband reference (transcript-rebuilt; emitter-appended) ---
"""Pipeline reference for scband-memory-33311766347969 (READ-ONLY COPY).

The authoritative reference and input builder live on the scoring server;
editing this copy changes nothing except your own understanding.
"""

import jax, jax.numpy as jnp
import numpy as np

M = 1000000
D = 64
B = 16384

def setup_inputs(seed: int = 0) -> dict:
    key = jax.random.key(seed)
    k1, k2, k3 = jax.random.split(key, 3)
    mem = jax.random.normal(k1, (M, D), dtype=jnp.float32)
    idx = jax.random.randint(k2, (B,), 0, M, dtype=jnp.int64) if jax.config.jax_enable_x64 else jax.random.randint(k2, (B,), 0, M, dtype=jnp.int32)
    val = jax.random.normal(k3, (B, D), dtype=jnp.float32)
    return {"mem": mem, "idx": idx, "val": val}

def reference(mem, idx, val):
    # Scatter-overwrite: write new KV-cache slices into the resident memory bank
    # at the slot positions given by idx (row-wise update of the memory table).
    new_mem = mem.at[idx].set(val)
    return new_mem

if __name__ == "__main__":
    import jax
    _d = setup_inputs()
    print(jax.jit(kernel)(*tuple(_d.values())))

</pallas_src>

<mosaic_0001>
#map = affine_map<(d0, d1) -> (0, 0)>
#map1 = affine_map<(d0, d1) -> (0)>
module attributes {stable_mosaic.version = 14 : i64} {
  func.func @new_body(%arg0: i32, %arg1: i32, %arg2: memref<1000000x64xf32, #tpu.memory_space<hbm>>, %arg3: memref<16384xi32, #tpu.memory_space<hbm>>, %arg4: memref<16384x64xf32, #tpu.memory_space<hbm>>, %arg5: memref<1000000x64xf32, #tpu.memory_space<hbm>>, %arg6: memref<16384xi32, #tpu.memory_space<vmem>>, %arg7: memref<31250xi32, #tpu.memory_space<vmem>>, %arg8: memref<16384xi32, #tpu.memory_space<vmem>>, %arg9: memref<16384xi32, #tpu.memory_space<vmem>>, %arg10: memref<1x128xi32, #tpu.memory_space<vmem>>, %arg11: memref<1x128xi32, #tpu.memory_space<vmem>>, %arg12: memref<128x64xf32, #tpu.memory_space<vmem>>, %arg13: memref<!tpu.dma_semaphore, #tpu.memory_space<semaphore_mem>>) attributes {dimension_semantics = [#tpu.dimension_semantics<core_parallel>, #tpu.dimension_semantics<subcore_parallel>], iteration_bounds = array<i64: 2, 16>, scalar_prefetch = 0 : i64, scratch_operands = 8 : i64, tpu.core_type = #tpu.core_type<sc_vector_subcore>, window_params = [{transform_indices = #map}, {transform_indices = #map1}, {transform_indices = #map}, {transform_indices = #map}]} {
    %mul3A = arith.constant 2 : i32
    %mul3A_0 = arith.muli %arg1, %mul3A : i32
    %add3A = arith.addi %mul3A_0, %arg0 : i32
    %mul3A_1 = arith.constant 31250 : i32
    %mul3A_2 = arith.muli %add3A, %mul3A_1 : i32
    "tpu.region"() ({
      %run_scoped3A = tpu.sem_alloc : memref<!tpu.dma_semaphore, #tpu.memory_space<semaphore_mem>>
      tpu.enqueue_dma source(%arg3 : memref<16384xi32, #tpu.memory_space<hbm>>) target(%arg6 : memref<16384xi32, #tpu.memory_space<vmem>>) target_semaphore(%run_scoped3A : memref<!tpu.dma_semaphore, #tpu.memory_space<semaphore_mem>>)
      tpu.wait_dma2 semaphore(%run_scoped3A : memref<!tpu.dma_semaphore, #tpu.memory_space<semaphore_mem>>) src(%arg3 : memref<16384xi32, #tpu.memory_space<hbm>>) dst(%arg6 : memref<16384xi32, #tpu.memory_space<vmem>>)
      tpu.yield
    }) : () -> ()
    %iota3A = tpu.iota {dimensions = array<i32: 0>} : vector<16xi32>
    %scan3A = arith.constant 0 : i32
    %scan3A_3 = arith.constant 0 : i32
    %scan3A_4 = arith.constant 1024 : i32
    %scan3A_5 = arith.addi %scan3A_3, %scan3A_4 : i32
    %scan3A_6 = arith.constant 1 : i32
    scf.for %scan3A_44 = %scan3A_3 to %scan3A_5 step %scan3A_6  : i32 {
      %mul3A_45 = arith.constant 16 : i32
      %mul3A_46 = arith.muli %scan3A_44, %mul3A_45 : i32
      %get3A = arith.index_cast %mul3A_46 : i32 to index
      %get3A_47 = tpu.vector_load %arg6[%get3A] {strides = array<i32>} : memref<16384xi32, #tpu.memory_space<vmem>>, vector<16xi32>,
      %ge3A = vector.broadcast %mul3A_2 : i32 to vector<16xi32>
      %ge3A_48 = arith.cmpi sge, %get3A_47, %ge3A : vector<16xi32>
      %add3A_49 = arith.constant 31250 : i32
      %add3A_50 = arith.addi %mul3A_2, %add3A_49 : i32
      %lt3A = vector.broadcast %add3A_50 : i32 to vector<16xi32>
      %lt3A_51 = arith.cmpi slt, %get3A_47, %lt3A : vector<16xi32>
      %and3A_52 = arith.andi %ge3A_48, %lt3A_51 : vector<16xi1>
      %sub3A_53 = vector.broadcast %mul3A_2 : i32 to vector<16xi32>
      %sub3A_54 = arith.subi %get3A_47, %sub3A_53 : vector<16xi32>
      %jit3A_55 = arith.constant 0 : i32
      %jit3A_56 = arith.constant 31249 : i32
      %max3A = vector.broadcast %jit3A_55 : i32 to vector<16xi32>
      %max3A_57 = arith.maxsi %max3A, %sub3A_54 : vector<16xi32>
      %min3A = vector.broadcast %jit3A_56 : i32 to vector<16xi32>
      %min3A_58 = arith.minsi %min3A, %max3A_57 : vector<16xi32>
      %mul3A_59 = arith.constant 16 : i32
      %mul3A_60 = arith.muli %scan3A_44, %mul3A_59 : i32
      %add3A_61 = vector.broadcast %mul3A_60 : i32 to vector<16xi32>
      %add3A_62 = arith.addi %add3A_61, %iota3A : vector<16xi32>
      tpu.vector_store_idx %arg7[%min3A_58], %add3A_62 masked %and3A_52 : memref<31250xi32, #tpu.memory_space<vmem>>[vector<16xi32>], vector<16xi32>, vector<16xi1>
    }
    %scan3A_7 = arith.constant 1024 : i32
    %scan3A_8 = arith.constant 0 : i32
    %scan3A_9 = arith.constant 0 : i32
    %scan3A_10 = arith.constant 1024 : i32
    %scan3A_11 = arith.addi %scan3A_9, %scan3A_10 : i32
    %scan3A_12 = arith.constant 1 : i32
    %scan3A_13 = scf.for %scan3A_44 = %scan3A_9 to %scan3A_11 step %scan3A_12 iter_args(%scan3A_45 = %scan3A_8) -> (i32)  : i32 {
      %mul3A_46 = arith.constant 16 : i32
      %mul3A_47 = arith.muli %scan3A_44, %mul3A_46 : i32
      %get3A = arith.index_cast %mul3A_47 : i32 to index
      %get3A_48 = tpu.vector_load %arg6[%get3A] {strides = array<i32>} : memref<16384xi32, #tpu.memory_space<vmem>>, vector<16xi32>,
      %ge3A = vector.broadcast %mul3A_2 : i32 to vector<16xi32>
      %ge3A_49 = arith.cmpi sge, %get3A_48, %ge3A : vector<16xi32>
      %add3A_50 = arith.constant 31250 : i32
      %add3A_51 = arith.addi %mul3A_2, %add3A_50 : i32
      %lt3A = vector.broadcast %add3A_51 : i32 to vector<16xi32>
      %lt3A_52 = arith.cmpi slt, %get3A_48, %lt3A : vector<16xi32>
      %and3A_53 = arith.andi %ge3A_49, %lt3A_52 : vector<16xi1>
      %sub3A_54 = vector.broadcast %mul3A_2 : i32 to vector<16xi32>
      %sub3A_55 = arith.subi %get3A_48, %sub3A_54 : vector<16xi32>
      %jit3A_56 = arith.constant 0 : i32
      %jit3A_57 = arith.constant 31249 : i32
      %max3A = vector.broadcast %jit3A_56 : i32 to vector<16xi32>
      %max3A_58 = arith.maxsi %max3A, %sub3A_55 : vector<16xi32>
      %min3A = vector.broadcast %jit3A_57 : i32 to vector<16xi32>
      %min3A_59 = arith.minsi %min3A, %max3A_58 : vector<16xi32>
      %mul3A_60 = arith.constant 16 : i32
      %mul3A_61 = arith.muli %scan3A_44, %mul3A_60 : i32
      %add3A_62 = vector.broadcast %mul3A_61 : i32 to vector<16xi32>
      %add3A_63 = arith.addi %add3A_62, %iota3A : vector<16xi32>
      %gather3A = tpu.vector_load_idx %arg7[%min3A_59] masked %and3A_53 : memref<31250xi32, #tpu.memory_space<vmem>>[vector<16xi32>], vector<16xi32>, vector<16xi1>
      %eq3A = arith.cmpi eq, %gather3A, %add3A_63 : vector<16xi32>
      %and3A_64 = arith.andi %and3A_53, %eq3A : vector<16xi1>
      %swap3A = arith.index_cast %scan3A_45 : i32 to index
      %swap3A_65 = tpu.vector_load %arg8[%swap3A] masked %and3A_64 {strides = array<i32>} : memref<16384xi32, #tpu.memory_space<vmem>>, vector<16xi32>, vector<16xi1>
      tpu.vector_store %arg8[%swap3A], %get3A_48 masked %and3A_64 {strides = array<i32>} : memref<16384xi32, #tpu.memory_space<vmem>>, vector<16xi32>, vector<16xi1>
      %swap3A_66 = arith.index_cast %scan3A_45 : i32 to index
      %swap3A_67 = tpu.vector_load %arg9[%swap3A_66] masked %and3A_64 {strides = array<i32>} : memref<16384xi32, #tpu.memory_space<vmem>>, vector<16xi32>, vector<16xi1>
      tpu.vector_store %arg9[%swap3A_66], %add3A_63 masked %and3A_64 {strides = array<i32>} : memref<16384xi32, #tpu.memory_space<vmem>>, vector<16xi32>, vector<16xi1>
      %all_reduce_population_count3A = tpu.all_reduce %and3A_64 {dim = 0 : i64, kind = #tpu.reduction_kind<sum>} : vector<16xi1> -> vector<16xi32>
      %reduce_max3A = arith.constant true
      %reduce_max3A_68 = vector.broadcast %reduce_max3A : i1 to vector<16xi1>
      %reduce_max3A_69 = arith.constant -2147483648 : i32
      %reduce_max3A_70 = vector.broadcast %reduce_max3A_69 : i32 to vector<16xi32>
      %reduce_max3A_71 = arith.xori %all_reduce_population_count3A, %reduce_max3A_70 : vector<16xi32>
      %reduce_max3A_72 = tpu.scan <max>, %reduce_max3A_71 masked %reduce_max3A_68 : vector<16xi32>, vector<16xi1> -> vector<16xi32>
      %reduce_max3A_73 = arith.xori %reduce_max3A_72, %reduce_max3A_70 : vector<16xi32>
      %reduce_max3A_74 = vector.extract %reduce_max3A_73[15] : i32 from vector<16xi32>
      %add3A_75 = arith.addi %scan3A_45, %reduce_max3A_74 : i32
      scf.yield %add3A_75 : i32
    }
    %scan3A_14 = arith.constant 1024 : i32
    %add3A_15 = arith.constant 128 : i32
    %add3A_16 = arith.addi %scan3A_13, %add3A_15 : i32
    %sub3A = arith.constant 1 : i32
    %sub3A_17 = arith.subi %add3A_16, %sub3A : i32
    %jit3A = arith.constant 128 : i32
    %div3A = arith.divsi %sub3A_17, %jit3A : i32
    %sign3A = arith.constant 0 : i32
    %sign3A_18 = arith.cmpi sgt, %sub3A_17, %sign3A : i32
    %sign3A_19 = arith.extui %sign3A_18 : i1 to i32
    %sign3A_20 = arith.constant 0 : i32
    %sign3A_21 = arith.cmpi slt, %sub3A_17, %sign3A_20 : i32
    %sign3A_22 = arith.extui %sign3A_21 : i1 to i32
    %sign3A_23 = arith.subi %sign3A_19, %sign3A_22 : i32
    %sign3A_24 = arith.constant 0 : i32
    %sign3A_25 = arith.cmpi sgt, %jit3A, %sign3A_24 : i32
    %sign3A_26 = arith.extui %sign3A_25 : i1 to i32
    %sign3A_27 = arith.constant 0 : i32
    %sign3A_28 = arith.cmpi slt, %jit3A, %sign3A_27 : i32
    %sign3A_29 = arith.extui %sign3A_28 : i1 to i32
    %sign3A_30 = arith.subi %sign3A_26, %sign3A_29 : i32
    %ne3A = arith.cmpi ne, %sign3A_23, %sign3A_30 : i32
    %rem3A = arith.remsi %sub3A_17, %jit3A : i32
    %ne3A_31 = arith.constant 0 : i32
    %ne3A_32 = arith.cmpi ne, %rem3A, %ne3A_31 : i32
    %and3A = arith.andi %ne3A, %ne3A_32 : i1
    %sub3A_33 = arith.constant 1 : i32
    %sub3A_34 = arith.subi %div3A, %sub3A_33 : i32
    %select_n3A = arith.select %and3A, %sub3A_34, %div3A : i32
    %while3A = arith.constant 0 : i32
    %while3A_35 = arith.constant 0 : i32
    %while3A_36 = arith.subi %select_n3A, %while3A_35 : i32
    %while3A_37 = arith.addi %while3A_35, %while3A_36 : i32
    %while3A_38 = arith.constant 1 : i32
    %while3A_39 = arith.divsi %while3A_36, %while3A_38 : i32
    %while3A_40 = arith.muli %while3A_39, %while3A_38 : i32
    %while3A_41 = arith.addi %while3A_35, %while3A_40 : i32
    %while3A_42 = arith.constant 1 : i32
    scf.for %while3A_44 = %while3A_35 to %while3A_41 step %while3A_42  : i32 {
      %mul3A_45 = arith.constant 128 : i32
      %mul3A_46 = arith.muli %while3A_44, %mul3A_45 : i32
      %sub3A_47 = arith.constant 1 : i32
      %sub3A_48 = arith.subi %scan3A_13, %sub3A_47 : i32
      %add3A_49 = arith.constant 0 : i32
      %add3A_50 = arith.addi %mul3A_46, %add3A_49 : i32
      %add3A_51 = vector.broadcast %add3A_50 : i32 to vector<16xi32>
      %add3A_52 = arith.addi %add3A_51, %iota3A : vector<16xi32>
      %min3A = vector.broadcast %sub3A_48 : i32 to vector<16xi32>
      %min3A_53 = arith.minsi %add3A_52, %min3A : vector<16xi32>
      %gather3A = tpu.vector_load_idx %arg8[%min3A_53] : memref<16384xi32, #tpu.memory_space<vmem>>[vector<16xi32>], vector<16xi32>,
      %swap3A = arith.constant 0 : i32
      %swap3A_54 = arith.index_cast %swap3A : i32 to index
      %swap3A_55 = arith.constant 0 : index
      %swap3A_56 = tpu.vector_load %arg10[%swap3A_54, %swap3A_55] {strides = array<i32>} : memref<1x128xi32, #tpu.memory_space<vmem>>, vector<16xi32>,
      tpu.vector_store %arg10[%swap3A_54, %swap3A_55], %gather3A {strides = array<i32>} : memref<1x128xi32, #tpu.memory_space<vmem>>, vector<16xi32>,
      %gather3A_57 = tpu.vector_load_idx %arg9[%min3A_53] : memref<16384xi32, #tpu.memory_space<vmem>>[vector<16xi32>], vector<16xi32>,
      %swap3A_58 = arith.constant 0 : i32
      %swap3A_59 = arith.index_cast %swap3A_58 : i32 to index
      %swap3A_60 = arith.constant 0 : index
      %swap3A_61 = tpu.vector_load %arg11[%swap3A_59, %swap3A_60] {strides = array<i32>} : memref<1x128xi32, #tpu.memory_space<vmem>>, vector<16xi32>,
      tpu.vector_store %arg11[%swap3A_59, %swap3A_60], %gather3A_57 {strides = array<i32>} : memref<1x128xi32, #tpu.memory_space<vmem>>, vector<16xi32>,
      %add3A_62 = arith.constant 16 : i32
      %add3A_63 = arith.addi %mul3A_46, %add3A_62 : i32
      %add3A_64 = vector.broadcast %add3A_63 : i32 to vector<16xi32>
      %add3A_65 = arith.addi %add3A_64, %iota3A : vector<16xi32>
      %min3A_66 = vector.broadcast %sub3A_48 : i32 to vector<16xi32>
      %min3A_67 = arith.minsi %add3A_65, %min3A_66 : vector<16xi32>
      %gather3A_68 = tpu.vector_load_idx %arg8[%min3A_67] : memref<16384xi32, #tpu.memory_space<vmem>>[vector<16xi32>], vector<16xi32>,
      %swap3A_69 = arith.constant 0 : i32
      %swap3A_70 = arith.index_cast %swap3A_69 : i32 to index
      %swap3A_71 = arith.constant 16 : index
      %swap3A_72 = tpu.vector_load %arg10[%swap3A_70, %swap3A_71] {strides = array<i32>} : memref<1x128xi32, #tpu.memory_space<vmem>>, vector<16xi32>,
      tpu.vector_store %arg10[%swap3A_70, %swap3A_71], %gather3A_68 {strides = array<i32>} : memref<1x128xi32, #tpu.memory_space<vmem>>, vector<16xi32>,
      %gather3A_73 = tpu.vector_load_idx %arg9[%min3A_67] : memref<16384xi32, #tpu.memory_space<vmem>>[vector<16xi32>], vector<16xi32>,
      %swap3A_74 = arith.constant 0 : i32
      %swap3A_75 = arith.index_cast %swap3A_74 : i32 to index
      %swap3A_76 = arith.constant 16 : index
      %swap3A_77 = tpu.vector_load %arg11[%swap3A_75, %swap3A_76] {strides = array<i32>} : memref<1x128xi32, #tpu.memory_space<vmem>>, vector<16xi32>,
      tpu.vector_store %arg11[%swap3A_75, %swap3A_76], %gather3A_73 {strides = array<i32>} : memref<1x128xi32, #tpu.memory_space<vmem>>, vector<16xi32>,
      %add3A_78 = arith.constant 32 : i32
      %add3A_79 = arith.addi %mul3A_46, %add3A_78 : i32
      %add3A_80 = vector.broadcast %add3A_79 : i32 to vector<16xi32>
      %add3A_81 = arith.addi %add3A_80, %iota3A : vector<16xi32>
      %min3A_82 = vector.broadcast %sub3A_48 : i32 to vector<16xi32>
      %min3A_83 = arith.minsi %add3A_81, %min3A_82 : vector<16xi32>
      %gather3A_84 = tpu.vector_load_idx %arg8[%min3A_83] : memref<16384xi32, #tpu.memory_space<vmem>>[vector<16xi32>], vector<16xi32>,
      %swap3A_85 = arith.constant 0 : i32
      %swap3A_86 = arith.index_cast %swap3A_85 : i32 to index
      %swap3A_87 = arith.constant 32 : index
      %swap3A_88 = tpu.vector_load %arg10[%swap3A_86, %swap3A_87] {strides = array<i32>} : memref<1x128xi32, #tpu.memory_space<vmem>>, vector<16xi32>,
      tpu.vector_store %arg10[%swap3A_86, %swap3A_87], %gather3A_84 {strides = array<i32>} : memref<1x128xi32, #tpu.memory_space<vmem>>, vector<16xi32>,
      %gather3A_89 = tpu.vector_load_idx %arg9[%min3A_83] : memref<16384xi32, #tpu.memory_space<vmem>>[vector<16xi32>], vector<16xi32>,
      %swap3A_90 = arith.constant 0 : i32
      %swap3A_91 = arith.index_cast %swap3A_90 : i32 to index
      %swap3A_92 = arith.constant 32 : index
      %swap3A_93 = tpu.vector_load %arg11[%swap3A_91, %swap3A_92] {strides = array<i32>} : memref<1x128xi32, #tpu.memory_space<vmem>>, vector<16xi32>,
      tpu.vector_store %arg11[%swap3A_91, %swap3A_92], %gather3A_89 {strides = array<i32>} : memref<1x128xi32, #tpu.memory_space<vmem>>, vector<16xi32>,
      %add3A_94 = arith.constant 48 : i32
      %add3A_95 = arith.addi %mul3A_46, %add3A_94 : i32
      %add3A_96 = vector.broadcast %add3A_95 : i32 to vector<16xi32>
      %add3A_97 = arith.addi %add3A_96, %iota3A : vector<16xi32>
      %min3A_98 = vector.broadcast %sub3A_48 : i32 to vector<16xi32>
      %min3A_99 = arith.minsi %add3A_97, %min3A_98 : vector<16xi32>
      %gather3A_100 = tpu.vector_load_idx %arg8[%min3A_99] : memref<16384xi32, #tpu.memory_space<vmem>>[vector<16xi32>], vector<16xi32>,
      %swap3A_101 = arith.constant 0 : i32
      %swap3A_102 = arith.index_cast %swap3A_101 : i32 to index
      %swap3A_103 = arith.constant 48 : index
      %swap3A_104 = tpu.vector_load %arg10[%swap3A_102, %swap3A_103] {strides = array<i32>} : memref<1x128xi32, #tpu.memory_space<vmem>>, vector<16xi32>,
      tpu.vector_store %arg10[%swap3A_102, %swap3A_103], %gather3A_100 {strides = array<i32>} : memref<1x128xi32, #tpu.memory_space<vmem>>, vector<16xi32>,
      %gather3A_105 = tpu.vector_load_idx %arg9[%min3A_99] : memref<16384xi32, #tpu.memory_space<vmem>>[vector<16xi32>], vector<16xi32>,
      %swap3A_106 = arith.constant 0 : i32
      %swap3A_107 = arith.index_cast %swap3A_106 : i32 to index
      %swap3A_108 = arith.constant 48 : index
      %swap3A_109 = tpu.vector_load %arg11[%swap3A_107, %swap3A_108] {strides = array<i32>} : memref<1x128xi32, #tpu.memory_space<vmem>>, vector<16xi32>,
      tpu.vector_store %arg11[%swap3A_107, %swap3A_108], %gather3A_105 {strides = array<i32>} : memref<1x128xi32, #tpu.memory_space<vmem>>, vector<16xi32>,
      %add3A_110 = arith.constant 64 : i32
      %add3A_111 = arith.addi %mul3A_46, %add3A_110 : i32
      %add3A_112 = vector.broadcast %add3A_111 : i32 to vector<16xi32>
      %add3A_113 = arith.addi %add3A_112, %iota3A : vector<16xi32>
      %min3A_114 = vector.broadcast %sub3A_48 : i32 to vector<16xi32>
      %min3A_115 = arith.minsi %add3A_113, %min3A_114 : vector<16xi32>
      %gather3A_116 = tpu.vector_load_idx %arg8[%min3A_115] : memref<16384xi32, #tpu.memory_space<vmem>>[vector<16xi32>], vector<16xi32>,
      %swap3A_117 = arith.constant 0 : i32
      %swap3A_118 = arith.index_cast %swap3A_117 : i32 to index
      %swap3A_119 = arith.constant 64 : index
      %swap3A_120 = tpu.vector_load %arg10[%swap3A_118, %swap3A_119] {strides = array<i32>} : memref<1x128xi32, #tpu.memory_space<vmem>>, vector<16xi32>,
      tpu.vector_store %arg10[%swap3A_118, %swap3A_119], %gather3A_116 {strides = array<i32>} : memref<1x128xi32, #tpu.memory_space<vmem>>, vector<16xi32>,
      %gather3A_121 = tpu.vector_load_idx %arg9[%min3A_115] : memref<16384xi32, #tpu.memory_space<vmem>>[vector<16xi32>], vector<16xi32>,
      %swap3A_122 = arith.constant 0 : i32
      %swap3A_123 = arith.index_cast %swap3A_122 : i32 to index
      %swap3A_124 = arith.constant 64 : index
      %swap3A_125 = tpu.vector_load %arg11[%swap3A_123, %swap3A_124] {strides = array<i32>} : memref<1x128xi32, #tpu.memory_space<vmem>>, vector<16xi32>,
      tpu.vector_store %arg11[%swap3A_123, %swap3A_124], %gather3A_121 {strides = array<i32>} : memref<1x128xi32, #tpu.memory_space<vmem>>, vector<16xi32>,
      %add3A_126 = arith.constant 80 : i32
      %add3A_127 = arith.addi %mul3A_46, %add3A_126 : i32
      %add3A_128 = vector.broadcast %add3A_127 : i32 to vector<16xi32>
      %add3A_129 = arith.addi %add3A_128, %iota3A : vector<16xi32>
      %min3A_130 = vector.broadcast %sub3A_48 : i32 to vector<16xi32>
      %min3A_131 = arith.minsi %add3A_129, %min3A_130 : vector<16xi32>
      %gather3A_132 = tpu.vector_load_idx %arg8[%min3A_131] : memref<16384xi32, #tpu.memory_space<vmem>>[vector<16xi32>], vector<16xi32>,
      %swap3A_133 = arith.constant 0 : i32
      %swap3A_134 = arith.index_cast %swap3A_133 : i32 to index
      %swap3A_135 = arith.constant 80 : index
      %swap3A_136 = tpu.vector_load %arg10[%swap3A_134, %swap3A_135] {strides = array<i32>} : memref<1x128xi32, #tpu.memory_space<vmem>>, vector<16xi32>,
      tpu.vector_store %arg10[%swap3A_134, %swap3A_135], %gather3A_132 {strides = array<i32>} : memref<1x128xi32, #tpu.memory_space<vmem>>, vector<16xi32>,
      %gather3A_137 = tpu.vector_load_idx %arg9[%min3A_131] : memref<16384xi32, #tpu.memory_space<vmem>>[vector<16xi32>], vector<16xi32>,
      %swap3A_138 = arith.constant 0 : i32
      %swap3A_139 = arith.index_cast %swap3A_138 : i32 to index
      %swap3A_140 = arith.constant 80 : index
      %swap3A_141 = tpu.vector_load %arg11[%swap3A_139, %swap3A_140] {strides = array<i32>} : memref<1x128xi32, #tpu.memory_space<vmem>>, vector<16xi32>,
      tpu.vector_store %arg11[%swap3A_139, %swap3A_140], %gather3A_137 {strides = array<i32>} : memref<1x128xi32, #tpu.memory_space<vmem>>, vector<16xi32>,
      %add3A_142 = arith.constant 96 : i32
      %add3A_143 = arith.addi %mul3A_46, %add3A_142 : i32
      %add3A_144 = vector.broadcast %add3A_143 : i32 to vector<16xi32>
      %add3A_145 = arith.addi %add3A_144, %iota3A : vector<16xi32>
      %min3A_146 = vector.broadcast %sub3A_48 : i32 to vector<16xi32>
      %min3A_147 = arith.minsi %add3A_145, %min3A_146 : vector<16xi32>
      %gather3A_148 = tpu.vector_load_idx %arg8[%min3A_147] : memref<16384xi32, #tpu.memory_space<vmem>>[vector<16xi32>], vector<16xi32>,
      %swap3A_149 = arith.constant 0 : i32
      %swap3A_150 = arith.index_cast %swap3A_149 : i32 to index
      %swap3A_151 = arith.constant 96 : index
      %swap3A_152 = tpu.vector_load %arg10[%swap3A_150, %swap3A_151] {strides = array<i32>} : memref<1x128xi32, #tpu.memory_space<vmem>>, vector<16xi32>,
      tpu.vector_store %arg10[%swap3A_150, %swap3A_151], %gather3A_148 {strides = array<i32>} : memref<1x128xi32, #tpu.memory_space<vmem>>, vector<16xi32>,
      %gather3A_153 = tpu.vector_load_idx %arg9[%min3A_147] : memref<16384xi32, #tpu.memory_space<vmem>>[vector<16xi32>], vector<16xi32>,
      %swap3A_154 = arith.constant 0 : i32
      %swap3A_155 = arith.index_cast %swap3A_154 : i32 to index
      %swap3A_156 = arith.constant 96 : index
      %swap3A_157 = tpu.vector_load %arg11[%swap3A_155, %swap3A_156] {strides = array<i32>} : memref<1x128xi32, #tpu.memory_space<vmem>>, vector<16xi32>,
      tpu.vector_store %arg11[%swap3A_155, %swap3A_156], %gather3A_153 {strides = array<i32>} : memref<1x128xi32, #tpu.memory_space<vmem>>, vector<16xi32>,
      %add3A_158 = arith.constant 112 : i32
      %add3A_159 = arith.addi %mul3A_46, %add3A_158 : i32
      %add3A_160 = vector.broadcast %add3A_159 : i32 to vector<16xi32>
      %add3A_161 = arith.addi %add3A_160, %iota3A : vector<16xi32>
      %min3A_162 = vector.broadcast %sub3A_48 : i32 to vector<16xi32>
      %min3A_163 = arith.minsi %add3A_161, %min3A_162 : vector<16xi32>
      %gather3A_164 = tpu.vector_load_idx %arg8[%min3A_163] : memref<16384xi32, #tpu.memory_space<vmem>>[vector<16xi32>], vector<16xi32>,
      %swap3A_165 = arith.constant 0 : i32
      %swap3A_166 = arith.index_cast %swap3A_165 : i32 to index
      %swap3A_167 = arith.constant 112 : index
      %swap3A_168 = tpu.vector_load %arg10[%swap3A_166, %swap3A_167] {strides = array<i32>} : memref<1x128xi32, #tpu.memory_space<vmem>>, vector<16xi32>,
      tpu.vector_store %arg10[%swap3A_166, %swap3A_167], %gather3A_164 {strides = array<i32>} : memref<1x128xi32, #tpu.memory_space<vmem>>, vector<16xi32>,
      %gather3A_169 = tpu.vector_load_idx %arg9[%min3A_163] : memref<16384xi32, #tpu.memory_space<vmem>>[vector<16xi32>], vector<16xi32>,
      %swap3A_170 = arith.constant 0 : i32
      %swap3A_171 = arith.index_cast %swap3A_170 : i32 to index
      %swap3A_172 = arith.constant 112 : index
      %swap3A_173 = tpu.vector_load %arg11[%swap3A_171, %swap3A_172] {strides = array<i32>} : memref<1x128xi32, #tpu.memory_space<vmem>>, vector<16xi32>,
      tpu.vector_store %arg11[%swap3A_171, %swap3A_172], %gather3A_169 {strides = array<i32>} : memref<1x128xi32, #tpu.memory_space<vmem>>, vector<16xi32>,
      %dma_start3A = arith.constant 0 : i32
      %dma_start3A_174 = arith.constant 0 : i32
      %dma_start3A_175 = tpu.memref_slice %arg11[%dma_start3A, %dma_start3A_174] : memref<1x128xi32, #tpu.memory_space<vmem>> -> memref<1x128xi32, #tpu.memory_space<vmem>>
      %dma_start3A_176 = tpu.memref_squeeze %dma_start3A_175 : memref<1x128xi32, #tpu.memory_space<vmem>> -> memref<128xi32, #tpu.memory_space<vmem>>
      %dma_start3A_177 = arith.constant 0 : i32
      %dma_start3A_178 = arith.constant 0 : i32
      %dma_start3A_179 = tpu.memref_slice %arg4[%dma_start3A_177, %dma_start3A_178] : memref<16384x64xf32, #tpu.memory_space<hbm>> -> memref<16384x64xf32, #tpu.memory_space<hbm>>
      tpu.enqueue_indirect_dma source(%dma_start3A_179 : memref<16384x64xf32, #tpu.memory_space<hbm>>) target(%arg12 : memref<128x64xf32, #tpu.memory_space<vmem>>) offsets(%dma_start3A_176 : memref<128xi32, #tpu.memory_space<vmem>>) semaphore(%arg13 : memref<!tpu.dma_semaphore, #tpu.memory_space<semaphore_mem>>)
      %dma_wait3A = arith.constant 0 : i32
      %dma_wait3A_180 = arith.constant 0 : i32
      %dma_wait3A_181 = tpu.memref_slice %arg11[%dma_wait3A, %dma_wait3A_180] : memref<1x128xi32, #tpu.memory_space<vmem>> -> memref<1x128xi32, #tpu.memory_space<vmem>>
      %dma_wait3A_182 = tpu.memref_squeeze %dma_wait3A_181 : memref<1x128xi32, #tpu.memory_space<vmem>> -> memref<128xi32, #tpu.memory_space<vmem>>
      %dma_wait3A_183 = arith.constant 0 : i32
      %dma_wait3A_184 = arith.constant 0 : i32
      %dma_wait3A_185 = tpu.memref_slice %arg4[%dma_wait3A_183, %dma_wait3A_184] : memref<16384x64xf32, #tpu.memory_space<hbm>> -> memref<16384x64xf32, #tpu.memory_space<hbm>>
      tpu.wait_indirect_dma semaphore(%arg13 : memref<!tpu.dma_semaphore, #tpu.memory_space<semaphore_mem>>) src(%dma_wait3A_185 : memref<16384x64xf32, #tpu.memory_space<hbm>>) dst(%arg12 : memref<128x64xf32, #tpu.memory_space<vmem>>)
      %dma_start3A_186 = arith.constant 0 : i32
      %dma_start3A_187 = arith.constant 0 : i32
      %dma_start3A_188 = tpu.memref_slice %arg10[%dma_start3A_186, %dma_start3A_187] : memref<1x128xi32, #tpu.memory_space<vmem>> -> memref<1x128xi32, #tpu.memory_space<vmem>>
      %dma_start3A_189 = tpu.memref_squeeze %dma_start3A_188 : memref<1x128xi32, #tpu.memory_space<vmem>> -> memref<128xi32, #tpu.memory_space<vmem>>
      %dma_start3A_190 = arith.constant 0 : i32
      %dma_start3A_191 = arith.constant 0 : i32
      %dma_start3A_192 = tpu.memref_slice %arg2[%dma_start3A_190, %dma_start3A_191] : memref<1000000x64xf32, #tpu.memory_space<hbm>> -> memref<1000000x64xf32, #tpu.memory_space<hbm>>
      tpu.enqueue_indirect_dma source(%arg12 : memref<128x64xf32, #tpu.memory_space<vmem>>) target(%dma_start3A_192 : memref<1000000x64xf32, #tpu.memory_space<hbm>>) offsets(%dma_start3A_189 : memref<128xi32, #tpu.memory_space<vmem>>) semaphore(%arg13 : memref<!tpu.dma_semaphore, #tpu.memory_space<semaphore_mem>>)
      %dma_wait3A_193 = arith.constant 0 : i32
      %dma_wait3A_194 = arith.constant 0 : i32
      %dma_wait3A_195 = tpu.memref_slice %arg10[%dma_wait3A_193, %dma_wait3A_194] : memref<1x128xi32, #tpu.memory_space<vmem>> -> memref<1x128xi32, #tpu.memory_space<vmem>>
      %dma_wait3A_196 = tpu.memref_squeeze %dma_wait3A_195 : memref<1x128xi32, #tpu.memory_space<vmem>> -> memref<128xi32, #tpu.memory_space<vmem>>
      %dma_wait3A_197 = arith.constant 0 : i32
      %dma_wait3A_198 = arith.constant 0 : i32
      %dma_wait3A_199 = tpu.memref_slice %arg2[%dma_wait3A_197, %dma_wait3A_198] : memref<1000000x64xf32, #tpu.memory_space<hbm>> -> memref<1000000x64xf32, #tpu.memory_space<hbm>>
      tpu.wait_indirect_dma semaphore(%arg13 : memref<!tpu.dma_semaphore, #tpu.memory_space<semaphore_mem>>) src(%arg12 : memref<128x64xf32, #tpu.memory_space<vmem>>) dst(%dma_wait3A_199 : memref<1000000x64xf32, #tpu.memory_space<hbm>>)
    }
    %while3A_43 = arith.constant 1 : i32
    scf.for %while3A_44 = %while3A_41 to %while3A_37 step %while3A_43  : i32 {
      %mul3A_45 = arith.constant 128 : i32
      %mul3A_46 = arith.muli %while3A_44, %mul3A_45 : i32
      %sub3A_47 = arith.constant 1 : i32
      %sub3A_48 = arith.subi %scan3A_13, %sub3A_47 : i32
      %add3A_49 = arith.constant 0 : i32
      %add3A_50 = arith.addi %mul3A_46, %add3A_49 : i32
      %add3A_51 = vector.broadcast %add3A_50 : i32 to vector<16xi32>
      %add3A_52 = arith.addi %add3A_51, %iota3A : vector<16xi32>
      %min3A = vector.broadcast %sub3A_48 : i32 to vector<16xi32>
      %min3A_53 = arith.minsi %add3A_52, %min3A : vector<16xi32>
      %gather3A = tpu.vector_load_idx %arg8[%min3A_53] : memref<16384xi32, #tpu.memory_space<vmem>>[vector<16xi32>], vector<16xi32>,
      %swap3A = arith.constant 0 : i32
      %swap3A_54 = arith.index_cast %swap3A : i32 to index
      %swap3A_55 = arith.constant 0 : index
      %swap3A_56 = tpu.vector_load %arg10[%swap3A_54, %swap3A_55] {strides = array<i32>} : memref<1x128xi32, #tpu.memory_space<vmem>>, vector<16xi32>,
      tpu.vector_store %arg10[%swap3A_54, %swap3A_55], %gather3A {strides = array<i32>} : memref<1x128xi32, #tpu.memory_space<vmem>>, vector<16xi32>,
      %gather3A_57 = tpu.vector_load_idx %arg9[%min3A_53] : memref<16384xi32, #tpu.memory_space<vmem>>[vector<16xi32>], vector<16xi32>,
      %swap3A_58 = arith.constant 0 : i32
      %swap3A_59 = arith.index_cast %swap3A_58 : i32 to index
      %swap3A_60 = arith.constant 0 : index
      %swap3A_61 = tpu.vector_load %arg11[%swap3A_59, %swap3A_60] {strides = array<i32>} : memref<1x128xi32, #tpu.memory_space<vmem>>, vector<16xi32>,
      tpu.vector_store %arg11[%swap3A_59, %swap3A_60], %gather3A_57 {strides = array<i32>} : memref<1x128xi32, #tpu.memory_space<vmem>>, vector<16xi32>,
      %add3A_62 = arith.constant 16 : i32
      %add3A_63 = arith.addi %mul3A_46, %add3A_62 : i32
      %add3A_64 = vector.broadcast %add3A_63 : i32 to vector<16xi32>
      %add3A_65 = arith.addi %add3A_64, %iota3A : vector<16xi32>
      %min3A_66 = vector.broadcast %sub3A_48 : i32 to vector<16xi32>
      %min3A_67 = arith.minsi %add3A_65, %min3A_66 : vector<16xi32>
      %gather3A_68 = tpu.vector_load_idx %arg8[%min3A_67] : memref<16384xi32, #tpu.memory_space<vmem>>[vector<16xi32>], vector<16xi32>,
      %swap3A_69 = arith.constant 0 : i32
      %swap3A_70 = arith.index_cast %swap3A_69 : i32 to index
      %swap3A_71 = arith.constant 16 : index
      %swap3A_72 = tpu.vector_load %arg10[%swap3A_70, %swap3A_71] {strides = array<i32>} : memref<1x128xi32, #tpu.memory_space<vmem>>, vector<16xi32>,
      tpu.vector_store %arg10[%swap3A_70, %swap3A_71], %gather3A_68 {strides = array<i32>} : memref<1x128xi32, #tpu.memory_space<vmem>>, vector<16xi32>,
      %gather3A_73 = tpu.vector_load_idx %arg9[%min3A_67] : memref<16384xi32, #tpu.memory_space<vmem>>[vector<16xi32>], vector<16xi32>,
      %swap3A_74 = arith.constant 0 : i32
      %swap3A_75 = arith.index_cast %swap3A_74 : i32 to index
      %swap3A_76 = arith.constant 16 : index
      %swap3A_77 = tpu.vector_load %arg11[%swap3A_75, %swap3A_76] {strides = array<i32>} : memref<1x128xi32, #tpu.memory_space<vmem>>, vector<16xi32>,
      tpu.vector_store %arg11[%swap3A_75, %swap3A_76], %gather3A_73 {strides = array<i32>} : memref<1x128xi32, #tpu.memory_space<vmem>>, vector<16xi32>,
      %add3A_78 = arith.constant 32 : i32
      %add3A_79 = arith.addi %mul3A_46, %add3A_78 : i32
      %add3A_80 = vector.broadcast %add3A_79 : i32 to vector<16xi32>
      %add3A_81 = arith.addi %add3A_80, %iota3A : vector<16xi32>
      %min3A_82 = vector.broadcast %sub3A_48 : i32 to vector<16xi32>
      %min3A_83 = arith.minsi %add3A_81, %min3A_82 : vector<16xi32>
      %gather3A_84 = tpu.vector_load_idx %arg8[%min3A_83] : memref<16384xi32, #tpu.memory_space<vmem>>[vector<16xi32>], vector<16xi32>,
      %swap3A_85 = arith.constant 0 : i32
      %swap3A_86 = arith.index_cast %swap3A_85 : i32 to index
      %swap3A_87 = arith.constant 32 : index
      %swap3A_88 = tpu.vector_load %arg10[%swap3A_86, %swap3A_87] {strides = array<i32>} : memref<1x128xi32, #tpu.memory_space<vmem>>, vector<16xi32>,
      tpu.vector_store %arg10[%swap3A_86, %swap3A_87], %gather3A_84 {strides = array<i32>} : memref<1x128xi32, #tpu.memory_space<vmem>>, vector<16xi32>,
      %gather3A_89 = tpu.vector_load_idx %arg9[%min3A_83] : memref<16384xi32, #tpu.memory_space<vmem>>[vector<16xi32>], vector<16xi32>,
      %swap3A_90 = arith.constant 0 : i32
      %swap3A_91 = arith.index_cast %swap3A_90 : i32 to index
      %swap3A_92 = arith.constant 32 : index
      %swap3A_93 = tpu.vector_load %arg11[%swap3A_91, %swap3A_92] {strides = array<i32>} : memref<1x128xi32, #tpu.memory_space<vmem>>, vector<16xi32>,
      tpu.vector_store %arg11[%swap3A_91, %swap3A_92], %gather3A_89 {strides = array<i32>} : memref<1x128xi32, #tpu.memory_space<vmem>>, vector<16xi32>,
      %add3A_94 = arith.constant 48 : i32
      %add3A_95 = arith.addi %mul3A_46, %add3A_94 : i32
      %add3A_96 = vector.broadcast %add3A_95 : i32 to vector<16xi32>
      %add3A_97 = arith.addi %add3A_96, %iota3A : vector<16xi32>
      %min3A_98 = vector.broadcast %sub3A_48 : i32 to vector<16xi32>
      %min3A_99 = arith.minsi %add3A_97, %min3A_98 : vector<16xi32>
      %gather3A_100 = tpu.vector_load_idx %arg8[%min3A_99] : memref<16384xi32, #tpu.memory_space<vmem>>[vector<16xi32>], vector<16xi32>,
      %swap3A_101 = arith.constant 0 : i32
      %swap3A_102 = arith.index_cast %swap3A_101 : i32 to index
      %swap3A_103 = arith.constant 48 : index
      %swap3A_104 = tpu.vector_load %arg10[%swap3A_102, %swap3A_103] {strides = array<i32>} : memref<1x128xi32, #tpu.memory_space<vmem>>, vector<16xi32>,
      tpu.vector_store %arg10[%swap3A_102, %swap3A_103], %gather3A_100 {strides = array<i32>} : memref<1x128xi32, #tpu.memory_space<vmem>>, vector<16xi32>,
      %gather3A_105 = tpu.vector_load_idx %arg9[%min3A_99] : memref<16384xi32, #tpu.memory_space<vmem>>[vector<16xi32>], vector<16xi32>,
      %swap3A_106 = arith.constant 0 : i32
      %swap3A_107 = arith.index_cast %swap3A_106 : i32 to index
      %swap3A_108 = arith.constant 48 : index
      %swap3A_109 = tpu.vector_load %arg11[%swap3A_107, %swap3A_108] {strides = array<i32>} : memref<1x128xi32, #tpu.memory_space<vmem>>, vector<16xi32>,
      tpu.vector_store %arg11[%swap3A_107, %swap3A_108], %gather3A_105 {strides = array<i32>} : memref<1x128xi32, #tpu.memory_space<vmem>>, vector<16xi32>,
      %add3A_110 = arith.constant 64 : i32
      %add3A_111 = arith.addi %mul3A_46, %add3A_110 : i32
      %add3A_112 = vector.broadcast %add3A_111 : i32 to vector<16xi32>
      %add3A_113 = arith.addi %add3A_112, %iota3A : vector<16xi32>
      %min3A_114 = vector.broadcast %sub3A_48 : i32 to vector<16xi32>
      %min3A_115 = arith.minsi %add3A_113, %min3A_114 : vector<16xi32>
      %gather3A_116 = tpu.vector_load_idx %arg8[%min3A_115] : memref<16384xi32, #tpu.memory_space<vmem>>[vector<16xi32>], vector<16xi32>,
      %swap3A_117 = arith.constant 0 : i32
      %swap3A_118 = arith.index_cast %swap3A_117 : i32 to index
      %swap3A_119 = arith.constant 64 : index
      %swap3A_120 = tpu.vector_load %arg10[%swap3A_118, %swap3A_119] {strides = array<i32>} : memref<1x128xi32, #tpu.memory_space<vmem>>, vector<16xi32>,
      tpu.vector_store %arg10[%swap3A_118, %swap3A_119], %gather3A_116 {strides = array<i32>} : memref<1x128xi32, #tpu.memory_space<vmem>>, vector<16xi32>,
      %gather3A_121 = tpu.vector_load_idx %arg9[%min3A_115] : memref<16384xi32, #tpu.memory_space<vmem>>[vector<16xi32>], vector<16xi32>,
      %swap3A_122 = arith.constant 0 : i32
      %swap3A_123 = arith.index_cast %swap3A_122 : i32 to index
      %swap3A_124 = arith.constant 64 : index
      %swap3A_125 = tpu.vector_load %arg11[%swap3A_123, %swap3A_124] {strides = array<i32>} : memref<1x128xi32, #tpu.memory_space<vmem>>, vector<16xi32>,
      tpu.vector_store %arg11[%swap3A_123, %swap3A_124], %gather3A_121 {strides = array<i32>} : memref<1x128xi32, #tpu.memory_space<vmem>>, vector<16xi32>,
      %add3A_126 = arith.constant 80 : i32
      %add3A_127 = arith.addi %mul3A_46, %add3A_126 : i32
      %add3A_128 = vector.broadcast %add3A_127 : i32 to vector<16xi32>
      %add3A_129 = arith.addi %add3A_128, %iota3A : vector<16xi32>
      %min3A_130 = vector.broadcast %sub3A_48 : i32 to vector<16xi32>
      %min3A_131 = arith.minsi %add3A_129, %min3A_130 : vector<16xi32>
      %gather3A_132 = tpu.vector_load_idx %arg8[%min3A_131] : memref<16384xi32, #tpu.memory_space<vmem>>[vector<16xi32>], vector<16xi32>,
      %swap3A_133 = arith.constant 0 : i32
      %swap3A_134 = arith.index_cast %swap3A_133 : i32 to index
      %swap3A_135 = arith.constant 80 : index
      %swap3A_136 = tpu.vector_load %arg10[%swap3A_134, %swap3A_135] {strides = array<i32>} : memref<1x128xi32, #tpu.memory_space<vmem>>, vector<16xi32>,
      tpu.vector_store %arg10[%swap3A_134, %swap3A_135], %gather3A_132 {strides = array<i32>} : memref<1x128xi32, #tpu.memory_space<vmem>>, vector<16xi32>,
      %gather3A_137 = tpu.vector_load_idx %arg9[%min3A_131] : memref<16384xi32, #tpu.memory_space<vmem>>[vector<16xi32>], vector<16xi32>,
      %swap3A_138 = arith.constant 0 : i32
      %swap3A_139 = arith.index_cast %swap3A_138 : i32 to index
      %swap3A_140 = arith.constant 80 : index
      %swap3A_141 = tpu.vector_load %arg11[%swap3A_139, %swap3A_140] {strides = array<i32>} : memref<1x128xi32, #tpu.memory_space<vmem>>, vector<16xi32>,
      tpu.vector_store %arg11[%swap3A_139, %swap3A_140], %gather3A_137 {strides = array<i32>} : memref<1x128xi32, #tpu.memory_space<vmem>>, vector<16xi32>,
      %add3A_142 = arith.constant 96 : i32
      %add3A_143 = arith.addi %mul3A_46, %add3A_142 : i32
      %add3A_144 = vector.broadcast %add3A_143 : i32 to vector<16xi32>
      %add3A_145 = arith.addi %add3A_144, %iota3A : vector<16xi32>
      %min3A_146 = vector.broadcast %sub3A_48 : i32 to vector<16xi32>
      %min3A_147 = arith.minsi %add3A_145, %min3A_146 : vector<16xi32>
      %gather3A_148 = tpu.vector_load_idx %arg8[%min3A_147] : memref<16384xi32, #tpu.memory_space<vmem>>[vector<16xi32>], vector<16xi32>,
      %swap3A_149 = arith.constant 0 : i32
      %swap3A_150 = arith.index_cast %swap3A_149 : i32 to index
      %swap3A_151 = arith.constant 96 : index
      %swap3A_152 = tpu.vector_load %arg10[%swap3A_150, %swap3A_151] {strides = array<i32>} : memref<1x128xi32, #tpu.memory_space<vmem>>, vector<16xi32>,
      tpu.vector_store %arg10[%swap3A_150, %swap3A_151], %gather3A_148 {strides = array<i32>} : memref<1x128xi32, #tpu.memory_space<vmem>>, vector<16xi32>,
      %gather3A_153 = tpu.vector_load_idx %arg9[%min3A_147] : memref<16384xi32, #tpu.memory_space<vmem>>[vector<16xi32>], vector<16xi32>,
      %swap3A_154 = arith.constant 0 : i32
      %swap3A_155 = arith.index_cast %swap3A_154 : i32 to index
      %swap3A_156 = arith.constant 96 : index
      %swap3A_157 = tpu.vector_load %arg11[%swap3A_155, %swap3A_156] {strides = array<i32>} : memref<1x128xi32, #tpu.memory_space<vmem>>, vector<16xi32>,
      tpu.vector_store %arg11[%swap3A_155, %swap3A_156], %gather3A_153 {strides = array<i32>} : memref<1x128xi32, #tpu.memory_space<vmem>>, vector<16xi32>,
      %add3A_158 = arith.constant 112 : i32
      %add3A_159 = arith.addi %mul3A_46, %add3A_158 : i32
      %add3A_160 = vector.broadcast %add3A_159 : i32 to vector<16xi32>
      %add3A_161 = arith.addi %add3A_160, %iota3A : vector<16xi32>
      %min3A_162 = vector.broadcast %sub3A_48 : i32 to vector<16xi32>
      %min3A_163 = arith.minsi %add3A_161, %min3A_162 : vector<16xi32>
      %gather3A_164 = tpu.vector_load_idx %arg8[%min3A_163] : memref<16384xi32, #tpu.memory_space<vmem>>[vector<16xi32>], vector<16xi32>,
      %swap3A_165 = arith.constant 0 : i32
      %swap3A_166 = arith.index_cast %swap3A_165 : i32 to index
      %swap3A_167 = arith.constant 112 : index
      %swap3A_168 = tpu.vector_load %arg10[%swap3A_166, %swap3A_167] {strides = array<i32>} : memref<1x128xi32, #tpu.memory_space<vmem>>, vector<16xi32>,
      tpu.vector_store %arg10[%swap3A_166, %swap3A_167], %gather3A_164 {strides = array<i32>} : memref<1x128xi32, #tpu.memory_space<vmem>>, vector<16xi32>,
      %gather3A_169 = tpu.vector_load_idx %arg9[%min3A_163] : memref<16384xi32, #tpu.memory_space<vmem>>[vector<16xi32>], vector<16xi32>,
      %swap3A_170 = arith.constant 0 : i32
      %swap3A_171 = arith.index_cast %swap3A_170 : i32 to index
      %swap3A_172 = arith.constant 112 : index
      %swap3A_173 = tpu.vector_load %arg11[%swap3A_171, %swap3A_172] {strides = array<i32>} : memref<1x128xi32, #tpu.memory_space<vmem>>, vector<16xi32>,
      tpu.vector_store %arg11[%swap3A_171, %swap3A_172], %gather3A_169 {strides = array<i32>} : memref<1x128xi32, #tpu.memory_space<vmem>>, vector<16xi32>,
      %dma_start3A = arith.constant 0 : i32
      %dma_start3A_174 = arith.constant 0 : i32
      %dma_start3A_175 = tpu.memref_slice %arg11[%dma_start3A, %dma_start3A_174] : memref<1x128xi32, #tpu.memory_space<vmem>> -> memref<1x128xi32, #tpu.memory_space<vmem>>
      %dma_start3A_176 = tpu.memref_squeeze %dma_start3A_175 : memref<1x128xi32, #tpu.memory_space<vmem>> -> memref<128xi32, #tpu.memory_space<vmem>>
      %dma_start3A_177 = arith.constant 0 : i32
      %dma_start3A_178 = arith.constant 0 : i32
      %dma_start3A_179 = tpu.memref_slice %arg4[%dma_start3A_177, %dma_start3A_178] : memref<16384x64xf32, #tpu.memory_space<hbm>> -> memref<16384x64xf32, #tpu.memory_space<hbm>>
      tpu.enqueue_indirect_dma source(%dma_start3A_179 : memref<16384x64xf32, #tpu.memory_space<hbm>>) target(%arg12 : memref<128x64xf32, #tpu.memory_space<vmem>>) offsets(%dma_start3A_176 : memref<128xi32, #tpu.memory_space<vmem>>) semaphore(%arg13 : memref<!tpu.dma_semaphore, #tpu.memory_space<semaphore_mem>>)
      %dma_wait3A = arith.constant 0 : i32
      %dma_wait3A_180 = arith.constant 0 : i32
      %dma_wait3A_181 = tpu.memref_slice %arg11[%dma_wait3A, %dma_wait3A_180] : memref<1x128xi32, #tpu.memory_space<vmem>> -> memref<1x128xi32, #tpu.memory_space<vmem>>
      %dma_wait3A_182 = tpu.memref_squeeze %dma_wait3A_181 : memref<1x128xi32, #tpu.memory_space<vmem>> -> memref<128xi32, #tpu.memory_space<vmem>>
      %dma_wait3A_183 = arith.constant 0 : i32
      %dma_wait3A_184 = arith.constant 0 : i32
      %dma_wait3A_185 = tpu.memref_slice %arg4[%dma_wait3A_183, %dma_wait3A_184] : memref<16384x64xf32, #tpu.memory_space<hbm>> -> memref<16384x64xf32, #tpu.memory_space<hbm>>
      tpu.wait_indirect_dma semaphore(%arg13 : memref<!tpu.dma_semaphore, #tpu.memory_space<semaphore_mem>>) src(%dma_wait3A_185 : memref<16384x64xf32, #tpu.memory_space<hbm>>) dst(%arg12 : memref<128x64xf32, #tpu.memory_space<vmem>>)
      %dma_start3A_186 = arith.constant 0 : i32
      %dma_start3A_187 = arith.constant 0 : i32
      %dma_start3A_188 = tpu.memref_slice %arg10[%dma_start3A_186, %dma_start3A_187] : memref<1x128xi32, #tpu.memory_space<vmem>> -> memref<1x128xi32, #tpu.memory_space<vmem>>
      %dma_start3A_189 = tpu.memref_squeeze %dma_start3A_188 : memref<1x128xi32, #tpu.memory_space<vmem>> -> memref<128xi32, #tpu.memory_space<vmem>>
      %dma_start3A_190 = arith.constant 0 : i32
      %dma_start3A_191 = arith.constant 0 : i32
      %dma_start3A_192 = tpu.memref_slice %arg2[%dma_start3A_190, %dma_start3A_191] : memref<1000000x64xf32, #tpu.memory_space<hbm>> -> memref<1000000x64xf32, #tpu.memory_space<hbm>>
      tpu.enqueue_indirect_dma source(%arg12 : memref<128x64xf32, #tpu.memory_space<vmem>>) target(%dma_start3A_192 : memref<1000000x64xf32, #tpu.memory_space<hbm>>) offsets(%dma_start3A_189 : memref<128xi32, #tpu.memory_space<vmem>>) semaphore(%arg13 : memref<!tpu.dma_semaphore, #tpu.memory_space<semaphore_mem>>)
      %dma_wait3A_193 = arith.constant 0 : i32
      %dma_wait3A_194 = arith.constant 0 : i32
      %dma_wait3A_195 = tpu.memref_slice %arg10[%dma_wait3A_193, %dma_wait3A_194] : memref<1x128xi32, #tpu.memory_space<vmem>> -> memref<1x128xi32, #tpu.memory_space<vmem>>
      %dma_wait3A_196 = tpu.memref_squeeze %dma_wait3A_195 : memref<1x128xi32, #tpu.memory_space<vmem>> -> memref<128xi32, #tpu.memory_space<vmem>>
      %dma_wait3A_197 = arith.constant 0 : i32
      %dma_wait3A_198 = arith.constant 0 : i32
      %dma_wait3A_199 = tpu.memref_slice %arg2[%dma_wait3A_197, %dma_wait3A_198] : memref<1000000x64xf32, #tpu.memory_space<hbm>> -> memref<1000000x64xf32, #tpu.memory_space<hbm>>
      tpu.wait_indirect_dma semaphore(%arg13 : memref<!tpu.dma_semaphore, #tpu.memory_space<semaphore_mem>>) src(%arg12 : memref<128x64xf32, #tpu.memory_space<vmem>>) dst(%dma_wait3A_199 : memref<1000000x64xf32, #tpu.memory_space<hbm>>)
    }
    return
  }
}

</mosaic_0001>

<sc_bundles>
// kernel: kernel.3.cloned.1.call-start
scs
__scs_entry_jumppad:
0x0: {  	(pc) =	sbr.rel $0x88, $3  }
0x1: {  	(tag) =	ssettag $0x0;
	lr =	simm.s32 $0x1  }
0x2: {  	[smem:$0x3F9E] =	sst lr;
	_ =	strace $0xD0000000  }
0x3: {  	_ = 	snop  }
0x4: {  	_ = 	snop  }
0x5: {  	_ = 	snop  }
0x6: {  	_ = 	snop  }
0x7: {  	_ = 	snop  }
__scs_overlays_trampoline_lowered:
0x8: {  	[smem:$0x3FAD] =	sst s0  }
0x9: {  	[smem:$0x3FAE] =	sst s1  }
0xa: {  	[smem:$0x3FAF] =	sst s2  }
0xb: {  	[smem:$0x3FB0] =	sst s3  }
0xc: {  	[smem:$0x3FB1] =	sst s4  }
0xd: {  	[smem:$0x3FB2] =	sst s5  }
0xe: {  	[smem:$0x3FB3] =	sst s6  }
0xf: {  	[smem:$0x3FB4] =	sst s7  }
0x10: {  	[smem:$0x3FB5] =	sst s8  }
0x11: {  	[smem:$0x3FB6] =	sst s9;
	s0 =	simm.s32 @!p0 $0x0  }
0x12: {  	s1 =	sld [smem:$0x3F9C];
	s0 =	simm.s32 @p0 $0x1  }
0x13: {  	[smem:$0x3FB7] =	sst s0;
	s0 =	simm.s32 @!p1 $0x0  }
0x14: {  	s2 =	sld [smem:$0x3F9B];
	s0 =	simm.s32 @p1 $0x1  }
0x15: {  	[smem:$0x3FB8] =	sst s0;
	s0 =	simm.s32 @!p2 $0x0  }
0x16: {  	s3 =	sld [smem:$0x3FDB];
	s0 =	simm.s32 @p2 $0x1  }
0x17: {  	s4 =	simm.s32 $0x1BF5;
	[smem:$0x3FBA] =	sst s0  }
0x18: {  	s0 =	sld [smem:$0x3F9D];
	_ =	swait.ge [sflag:s4], $0x0  }
0x19: {  	s7 =	sld [smem:$0x3F9E]  }
0x1a: {  	s8 =	sadd.s32 $0xFFFFE003, lr  }
0x1b: {  	s9 =	sadd.s32 $0xFFFFFEF7, lr;
	s5 =	simm.s32 $0xFFFFFFFF;
	p2 =	slt.u32 s8, $0xFFFFF086  }
0x1c: {  	p1 =	slt.u32 s9, $0xF7A;
	s5 =	simm.s32 @!p2 $0x0  }
0x1d: {  	s5 =	simm.s32 @p1 $0x1;
	p0 =	seq.s32 s7, s2  }
0x1e: {  	s7 =	smul.u32 @!p0 $0xF7A, s2;
	p2 =	seq.s32 @!p0 s5, $0x0  }
0x1f: {  	s9 =	smul.u32 $0xF7A, s1;
	s8 =	simm.s32 @!p0 $0x1BF5;
	p2 =	por !p2, p0  }
0x20: {  	[sflag:s8] =	ssyncset.s32 @!p0 $0xFFFFF086;
	s6 =	sadd.s32 @!p0 s3, s7;
	s7 =	simm.s32 @!p0 $0x108  }
0x21: {  	s3 =	sadd.s32 s3, s9;
	s6 =	sadd.s32 @!p0 $0x88, s6;
	s7 =	simm.s32 @p2 $0x1082  }
0x22: {  	[simem:s7], [sflag:s8] =	dma.local @!p0 [hbm:s6], $0xF7A  }
0x23: {  	s9 =	sor.u32 $0xD0000000, s2;
	s6 =	simm.s32 $0x108;
	_ =	swait.ge @!p0 [sflag:s8], $0x0  }
0x24: {  	s3 =	sadd.s32 $0x88, s3;
	s6 =	simm.s32 @!p1 $0x1082;
	[sflag:s4] =	ssyncset.s32 $0xFFFFF086  }
0x25: {  	[simem:s6], [sflag:s4] =	dma.local [hbm:s3], $0xF7A  }
0x26: {  	[smem:$0x3F9E] =	sst s1;
	(tag) =	ssettag s2;
	_ =	strace s9  }
0x27: {  	s1 =	sld [smem:$0x3FAE]  }
0x28: {  	s2 =	sld [smem:$0x3FAF]  }
0x29: {  	s4 =	sld [smem:$0x3FB1]  }
0x2a: {  	p0 =	seq.s32 s5, $0x0;
	s5 =	sld [smem:$0x3FB2]  }
0x2b: {  	s6 =	sld [smem:$0x3FB3]  }
0x2c: {  	s7 =	sld [smem:$0x3FB4]  }
0x2d: {  	s3 =	simm.s32 $0x108;
	s8 =	sld [smem:$0x3FB5]  }
0x2e: {  	s3 =	simm.s32 @!p0 $0x1082;
	s9 =	sld [smem:$0x3FB6]  }
0x2f: {  	lr =	sadd.s32 s0, s3;
	s0 =	sld [smem:$0x3FAD]  }
0x30: {  	s3 =	sld [smem:$0x3FB0]  }
0x31: {  	[smem:$0x3FB9] =	sst s10  }
0x32: {  	s10 =	sld [smem:$0x3FB7];
	_ =	sdelay $0x3  }
0x33: {  	p0 =	seq.s32 s10, $0x1;
	s10 =	sld [smem:$0x3FB9];
	_ =	sdelay $0x3  }
0x34: {  	[smem:$0x3FB9] =	sst s10  }
0x35: {  	s10 =	sld [smem:$0x3FB8];
	_ =	sdelay $0x3  }
0x36: {  	p1 =	seq.s32 s10, $0x1;
	s10 =	sld [smem:$0x3FB9];
	_ =	sdelay $0x3  }
0x37: {  	[smem:$0x3FB9] =	sst s10  }
0x38: {  	s10 =	sld [smem:$0x3FBA]  }
0x39: {  	_ = 	snop;
	(pc) =	sbr.ind lr, $3  }
0x3a: {  	_ = 	snop  }
0x3b: {  	_ = 	snop  }
0x3c: {  	p2 =	seq.s32 s10, $0x1;
	s10 =	sld [smem:$0x3FB9]  }
0x3d: {  	_ =	shalt  }
0x3e: {  	_ =	shalt  }
0x3f: {  	_ =	shalt  }
0x40: {  	_ =	shalt  }
0x41: {  	_ =	shalt  }
0x42: {  	_ =	shalt  }
0x43: {  	_ =	shalt  }
0x44: {  	_ =	shalt  }
0x45: {  	_ =	shalt  }
0x46: {  	_ =	shalt  }
0x47: {  	_ =	shalt  }
0x48: {  	_ =	shalt  }
0x49: {  	_ =	shalt  }
0x4a: {  	_ =	shalt  }
0x4b: {  	_ =	shalt  }
0x4c: {  	_ =	shalt  }
0x4d: {  	_ =	shalt  }
0x4e: {  	_ =	shalt  }
0x4f: {  	_ =	shalt  }
0x50: {  	_ =	shalt  }
0x51: {  	_ =	shalt  }
0x52: {  	_ =	shalt  }
0x53: {  	_ =	shalt  }
0x54: {  	_ =	shalt  }
0x55: {  	_ =	shalt  }
0x56: {  	_ =	shalt  }
0x57: {  	_ =	shalt  }
0x58: {  	_ =	shalt  }
0x59: {  	_ =	shalt  }
0x5a: {  	_ =	shalt  }
0x5b: {  	_ =	shalt  }
0x5c: {  	_ =	shalt  }
0x5d: {  	_ =	shalt  }
0x5e: {  	_ =	shalt  }
0x5f: {  	_ =	shalt  }
0x60: {  	_ =	shalt  }
0x61: {  	_ =	shalt  }
0x62: {  	_ =	shalt  }
0x63: {  	_ =	shalt  }
0x64: {  	_ =	shalt  }
0x65: {  	_ =	shalt  }
0x66: {  	_ =	shalt  }
0x67: {  	_ =	shalt  }
0x68: {  	_ =	shalt  }
0x69: {  	_ =	shalt  }
0x6a: {  	_ =	shalt  }
0x6b: {  	_ =	shalt  }
0x6c: {  	_ =	shalt  }
0x6d: {  	_ =	shalt  }
0x6e: {  	_ =	shalt  }
0x6f: {  	_ =	shalt  }
0x70: {  	_ =	shalt  }
0x71: {  	_ =	shalt  }
0x72: {  	_ =	shalt  }
0x73: {  	_ =	shalt  }
0x74: {  	_ =	shalt  }
0x75: {  	_ =	shalt  }
0x76: {  	_ =	shalt  }
0x77: {  	_ =	shalt  }
0x78: {  	_ =	shalt  }
0x79: {  	_ =	shalt  }
0x7a: {  	_ =	shalt  }
0x7b: {  	_ =	shalt  }
0x7c: {  	_ =	shalt  }
0x7d: {  	_ =	shalt  }
0x7e: {  	_ =	shalt  }
0x7f: {  	_ =	shalt  }
0x80: {  	_ =	shalt  }
0x81: {  	_ =	shalt  }
0x82: {  	_ =	shalt  }
0x83: {  	_ =	shalt  }
0x84: {  	_ =	shalt  }
0x85: {  	_ =	shalt  }
0x86: {  	_ =	shalt  }
0x87: {  	_ =	shalt  }
.Lfunc_end0:
.L_simem_size_0:
called_computation.1_lowered:
.L_overlay_start_0:
0x88: {  	s2 =	sld [smem:$0x3FD9]  }
0x89: {  	s3 =	sld [smem:$0x3FFE];
	_ =	sdelay $0x1  }
0x8a: {  	s1 =	srdreg.scid  }
0x8b: {  	s0 =	sand.u32 $0x1, s1  }
0x8c: {  	s17 =	sshll.u32 s0, $0xA;
	s2 =	sadd.s32 s3, s2  }
0x8d: {  	s2 =	sadd.s32 s2, s17  }
0x8e: {  	[smem:$0x3FC5] =	sst s2  }
0x8f: {  	_ = 	snop  }
0x90: {  	s2 =	sld [smem:$0x3FC8]  }
0x91: {  	s18 =	sld [smem:$0x3FD0];
	(tm) =	ssettm $0x1  }
0x92: {  	s4 =	sld [smem:$0x3FFB];
	_ =	sdelay $0x3  }
0x93: {  	_ =	strace s4  }
0x94: {  	s4 =	sld [smem:$0x3FFC];
	_ =	sdelay $0x3  }
0x95: {  	_ =	strace s4  }
0x96: {  	s4 =	sld [smem:$0x3FFD];
	_ =	sdelay $0x3  }
0x97: {  	_ =	strace s4  }
0x98: {  	_ =	strace $0x8FFFFFFF  }
0x99: {  	s19 =	sld [smem:$0x3FDB];
	_ =	sdelay $0x1  }
0x9a: {  	s5 =	simm.s32 $_scs_section_size  }
0x9b: {  	s6 =	simm.s32 $_size__tile_overlayer_lowered;
	s7 =	simm.s32 $_tile_overlayer_lowered  }
0x9c: {  	s22 =	simm.s32 $0x1BFF;
	s21 =	sshll.u32 s7, $0x1;
	s4 =	sadd.s32 s5, s19  }
0x9d: {  	s8 =	simm.s32 $0x0;
	s20 =	sshll.u32 s6, $0x1;
	s6 =	sadd.s32 s21, s4  }
0x9e: {  	[timem:s8], [sflag:s22] =	dma.local [hbm:s6], s20  }
0x9f: {  	_ =	swait.ge [sflag:s22], s20  }
0xa0: {  	s5 =	ssub.s32 $0x0, s20;
	[sflag:s22] =	ssyncset.done $0x0  }
0xa1: {  	[sflag:s22] =	ssyncadd.s32 s5;
	_ =	sdelay $0x1  }
0xa2: {  	s23 =	simm.s32 $0x1B8B  }
0xa3: {  	_ =	swait.ge [sflag:s23], $0x1  }
0xa4: {  	[sflag:s23] =	ssyncset.done $0x0  }
0xa5: {  	s25 =	simm.s32 $0x1B8E;
	s24 =	sld [smem:$0x3FFE];
	[sflag:s23] =	ssyncadd.s32 $0xFFFFFFFF  }
0xa6: {  	s26 =	simm.s32 $execute0_lowered;
	[smem:$0x3FD2] =	sst s25  }
0xa7: {  	s6 =	sshll.u32 s26, $0x1;
	_ =	strace $0x80000046;
	[dreg:$0x1] =	wrdreg $0xFFFFFFFF  }
0xa8: {  	s28 =	simm.s32 $_size_execute0_lowered;
	s4 =	sadd.s32 s4, s6;
	[dreg:$0x0] =	wrdreg $0x0  }
0xa9: {  	s6 =	sshll.u32 s28, $0x1;
	[dreg:$0x2] =	wrdreg s4  }
0xaa: {  	[dreg:$0x3] =	wrdreg s6  }
0xab: {  	[dreg:$0x4] =	wrdreg $0xC0  }
0xac: {  	_ =	task [dreg:s8], $0x5FFFF  }
0xad: {  	[dreg:$0x1] =	wrdreg $0xFFFFFFFF  }
0xae: {  	[dreg:$0x0] =	wrdreg $0x60  }
0xaf: {  	[dreg:$0x2] =	wrdreg s18  }
0xb0: {  	[dreg:$0x3] =	wrdreg s2  }
0xb1: {  	[dreg:$0x4] =	wrdreg s24  }
0xb2: {  	[dreg:$0x5] =	wrdreg $0x9  }
0xb3: {  	_ =	task.clear_ibuf [dreg:s8], $0x6FFFF;
	_ =	strace $0x90000046  }
0xb4: {  	s29 =	simm.s32 $0x9;
	_ =	strace $0x80000048  }
0xb5: {  	_ =	swait.ge [sflag:s29], $0x1  }
0xb6: {  	[sflag:s29] =	ssyncadd.s32 $0xFFFFFFFF  }
0xb7: {  	_ =	strace $0x90000048  }
0xb8: {  	_ =	sfence  }
0xb9: {  	s30 =	sld [smem:$0x0];
	_ =	sdelay $0x2  }
0xba: {  	s31 =	sshll.u32 s1, $0xD;
	s1 =	sshrl.u32 s1, $0x2  }
0xbb: {  	s3 =	sand.u32 $0x4000, s31;
	s1 =	sadd.s32 s1, s30  }
0xbc: {  	s0 =	sor.u32 s3, s0;
	s1 =	sshll.u32 s1, $0x11  }
0xbd: {  	s0 =	sor.u32 s1, s0  }
0xbe: {  	s0 =	sadd.s32 $0x8F2B, s0  }
0xbf: {  	[sflag:s0] =	ssyncadd.remote.s32 $0x1  }
0xc0: {  	_ =	sfence.sel $0xFFFF  }
0xc1: {  	[dreg:$0x0] =	wrdreg $0xFFFFFFFF;
	(pc) =	sbr.abs _section_cstart, $3  }
0xc2: {  	[dreg:$0x1] =	wrdreg $0xFFFFFFFF  }
0xc3: {  	_ =	task.clear_ibuf [dreg:s8], $0x2FFFF;
	_ =	strace $0x9FFFFFFF  }
0xc4: {  	(tm) =	ssettm $0x7FFFFFFF  }
0xc5: {  	_ =	shalt  }
tec
execute0_lowered:
.L_overlay_start_1:
0x0: {  	(tag) =	ssettag $0x1  }
0x1: {  	s1 =	rddreg [dreg:$0x0]  }
0x2: {  	s2 =	srdreg.scid;
	s3 =	rddreg [dreg:$0x1]  }
0x3: {  	s0 =	stileid.u32;
	s5 =	rddreg [dreg:$0x2]  }
0x4: {  	s8 =	simm.s32 $0x4000;
	s9 =	simm.s32 $0x1;
	s10 =	simm.s32 $0xBA18  }
0x5: {  	s11 =	simm.s32 $0xFA18;
	s12 =	simm.s32 $0x80;
	s13 =	simm.s32 $0x13A98  }
0x6: {  	s16 =	simm.s32 $0x0;
	s4 =	sand.u32 $0x1, s2;
	s29 =	sshll.u32 s0, $0x1  }
.Ltmp0:
0x7: {  	s2 =	rddreg [dreg:$0x3];
	s6 =	sor.u32 s4, s29;
	(pc) =	sbr.rel .LBB2_1-.Ltmp0, $4  }
0x8: {  	_ =	strace $0x80000047;
	s7 =	ssub.s32 $0x2, s4;
	s14 =	smul.u32 $0x7A12, s6  }
0x9: {  	s4 =	sadd.s32 $0xA00, s5;
	s30 =	sshrl.u32 s7, $0x1;
	s6 =	simm.s32 $0x0  }
0xa: {  	s31 =	ssub.s32 s7, s30;
	s7 =	simm.s32 $0x2;
	s15 =	sadd.s32 $0x7A12, s14  }
0xb: {  	v2 =	vlaneseq.u32;
	s5 =	smax.u32 s31, $0x1;
	v0 =	vmov s14;
	s14 =	simm.s32 $0x13B18;
	v1 =	vmov s15;
	s15 =	simm.s32 $0x13A18  }
.LBB2_9:
0xc: {  	_ =	sdelay $0x2  }
0xd: {  	[sflag:s9] =	ssyncadd.s32 @p0 $0xFFFFE000  }
0xe: {  	v5 =	vld.idx.msk [tilespmem:v4+s10+$0x0], $0xffff;
	_ =	sdelay $0x3  }
0xf: {  	s18 =	sadd.s32 $0xFFFFFFA0, s17  }
0x10: {  	v56 =	vor.u32 s18, v2;
	[tilespmem:$0x13A18] =	vst v5  }
0x11: {  	vm0 =	vlt.s32 v56, v3;
	v57 =	vld.idx.msk [tilespmem:v4+s11+$0x0], $0xffff  }
0x12: {  	v5 =	vsel vm0, v56, v3;
	_ =	sdelay $0x3  }
0x13: {  	[tilespmem:$0x13A98] =	vst v57  }
0x14: {  	v4 =	vld.idx.msk [tilespmem:v5+s10+$0x0], $0xffff;
	_ =	sdelay $0x3  }
0x15: {  	s26 =	sadd.s32 $0xFFFFFFB0, s17  }
0x16: {  	v58 =	vor.u32 s26, v2;
	[tilespmem:$0x13A28] =	vst v4  }
0x17: {  	vm10 =	vlt.s32 v58, v3;
	v5 =	vld.idx.msk [tilespmem:v5+s11+$0x0], $0xffff  }
0x18: {  	v4 =	vsel vm10, v58, v3;
	_ =	sdelay $0x3  }
0x19: {  	[tilespmem:$0x13AA8] =	vst v5  }
0x1a: {  	v5 =	vld.idx.msk [tilespmem:v4+s10+$0x0], $0xffff;
	_ =	sdelay $0x3  }
0x1b: {  	s28 =	sadd.s32 $0xFFFFFFC0, s17  }
0x1c: {  	v59 =	vor.u32 s28, v2;
	[tilespmem:$0x13A38] =	vst v5  }
0x1d: {  	vm11 =	vlt.s32 v59, v3;
	v4 =	vld.idx.msk [tilespmem:v4+s11+$0x0], $0xffff  }
0x1e: {  	v5 =	vsel vm11, v59, v3;
	_ =	sdelay $0x3  }
0x1f: {  	[tilespmem:$0x13AB8] =	vst v4  }
0x20: {  	v4 =	vld.idx.msk [tilespmem:v5+s10+$0x0], $0xffff;
	_ =	sdelay $0x3  }
0x21: {  	s29 =	sadd.s32 $0xFFFFFFD0, s17  }
0x22: {  	v60 =	vor.u32 s29, v2;
	[tilespmem:$0x13A48] =	vst v4  }
0x23: {  	vm12 =	vlt.s32 v60, v3;
	v5 =	vld.idx.msk [tilespmem:v5+s11+$0x0], $0xffff  }
0x24: {  	v4 =	vsel vm12, v60, v3;
	_ =	sdelay $0x3  }
0x25: {  	[tilespmem:$0x13AC8] =	vst v5  }
0x26: {  	v5 =	vld.idx.msk [tilespmem:v4+s10+$0x0], $0xffff;
	_ =	sdelay $0x3  }
0x27: {  	s30 =	sadd.s32 $0xFFFFFFE0, s17  }
0x28: {  	v61 =	vor.u32 s30, v2;
	[tilespmem:$0x13A58] =	vst v5  }
0x29: {  	vm13 =	vlt.s32 v61, v3;
	v4 =	vld.idx.msk [tilespmem:v4+s11+$0x0], $0xffff  }
0x2a: {  	v5 =	vsel vm13, v61, v3;
	_ =	sdelay $0x3  }
0x2b: {  	[tilespmem:$0x13AD8] =	vst v4  }
0x2c: {  	v4 =	vld.idx.msk [tilespmem:v5+s10+$0x0], $0xffff;
	_ =	sdelay $0x3  }
0x2d: {  	s31 =	sadd.s32 $0xFFFFFFF0, s17  }
0x2e: {  	v62 =	vor.u32 s31, v2;
	[tilespmem:$0x13A68] =	vst v4  }
0x2f: {  	vm14 =	vlt.s32 v62, v3;
	v5 =	vld.idx.msk [tilespmem:v5+s11+$0x0], $0xffff  }
0x30: {  	v4 =	vsel vm14, v62, v3;
	_ =	sdelay $0x3  }
0x31: {  	[tilespmem:$0x13AE8] =	vst v5  }
0x32: {  	v5 =	vld.idx.msk [tilespmem:v4+s10+$0x0], $0xffff;
	_ =	sdelay $0x4  }
0x33: {  	v63 =	vor.u32 s17, v2;
	[tilespmem:$0x13A78] =	vst v5  }
0x34: {  	vm15 =	vlt.s32 v63, v3;
	v4 =	vld.idx.msk [tilespmem:v4+s11+$0x0], $0xffff  }
0x35: {  	v3 =	vsel vm15, v63, v3;
	_ =	sdelay $0x3  }
0x36: {  	[tilespmem:$0x13AF8] =	vst v4  }
0x37: {  	v4 =	vld.idx.msk [tilespmem:v3+s10+$0x0], $0xffff;
	_ =	sdelay $0x4  }
0x38: {  	[tilespmem:$0x13A88] =	vst v4  }
0x39: {  	v3 =	vld.idx.msk [tilespmem:v3+s11+$0x0], $0xffff;
	_ =	sdelay $0x4  }
0x3a: {  	[tilespmem:$0x13B08] =	vst v3  }
0x3b: {  	[tilespmem:s14], [sflag:$0x1] =	stream.indirect.gather [hbm4b:s4+s12], $0x40, s13, s12, $0xb8;
	[tilespmem:$0x15B18] =	vst v63  }
0x3c: {  	_ =	swait.ge [sflag:s9], $0x2000  }
0x3d: {  	[sflag:s9] =	ssyncset.done $0x0  }
0x3e: {  	[sflag:s9] =	ssyncadd.s32 $0xFFFFE000  }
0x3f: {  	[hbm4b:s1+s12] =	stream.indirect.scatter [tilespmem:s14], [sflag:$0x1], $0x40, s15, s12, $0xb8;
	[tilespmem:$0x15B18] =	vst v63  }
0x40: {  	_ =	swait.ge [sflag:s9], $0x2000  }
0x41: {  	[sflag:s9] =	ssyncset.done $0x0  }
0x42: {  	[sflag:s9] =	ssyncadd.s32 $0xFFFFE000  }
.LBB2_10:
0x43: {  	s16 =	sadd.s32 $0x1, s16  }
0x44: {  	p0 =	sne.s32 s16, s5  }
.Ltmp1:
0x45: {  	_ = 	snop;
	(pc) =	sbr.rel @!p0 .LBB2_11-.Ltmp1, $1  }
0x46: {  	_ =	sdelay $0x3  }
.LBB2_1:
0x47: {  	[tilespmem:s6], [sflag:$0x2] =	stream.linear.gather [hbm4b:s3+s6], $0x4000, $0x38;
	[tilespmem:$0x15B18] =	vst v63  }
0x48: {  	_ =	swait.ge [sflag:s7], $0x4000  }
0x49: {  	[sflag:s7] =	ssyncset.done $0x0  }
0x4a: {  	s17 =	simm.s32 $0x0;
	s18 =	simm.s32 $0x0;
	[sflag:s7] =	ssyncadd.s32 $0xFFFFC000  }
.LBB2_2:
0x4b: {  	v3 =	vld [tilespmem:s17+$0x0];
	_ =	sdelay $0x4  }
0x4c: {  	v4 =	vsub.s32 v3, v0  }
0x4d: {  	vm0 =	vge.s32 v3, v0;
	vm1 =	vlt.s32 v3, v1;
	vm2 =	vgt.s32 v4, $0x0  }
0x4e: {  	vm0 =	vmand vm0, vm1;
	v3 =	vnsel vm2, $0x0, v4  }
0x4f: {  	p0 =	sne.s32 s18, $0x3FF0;
	v3 =	vmin.u32 v3, $0x7A11  }
.Ltmp2:
0x50: {  	_ = 	snop;
	(pc) =	sbr.rel @p0 .LBB2_2-.Ltmp2, $3  }
0x51: {  	_ =	sdelay $0x1  }
0x52: {  	v63 =	vor.u32 s18, v2  }
0x53: {  	s17 =	sadd.s32 $0x10, s17;
	s18 =	sadd.s32 $0x10, s18;
	[tilespmem:v3+s8+$0x0] =	vst.idx.msk vm0, v63  }
0x54: {  	s17 =	simm.s32 $0x0  }
0x55: {  	v3 =	vld [tilespmem:s17+$0x0];
	_ =	sdelay $0x4  }
0x56: {  	v4 =	vsub.s32 v3, v0  }
0x57: {  	vm0 =	vge.s32 v3, v0;
	vm1 =	vlt.s32 v3, v1;
	vm2 =	vgt.s32 v4, $0x0  }
0x58: {  	vm0 =	vmand vm0, vm1;
	v4 =	vnsel vm2, $0x0, v4  }
0x59: {  	v4 =	vmin.u32 v4, $0x7A11;
	_ =	sdelay $0x4  }
0x5a: {  	v4 =	vld.idx.msk [tilespmem:v4+s8+$0x0], vm0;
	_ =	sdelay $0x3  }
0x5b: {  	v5 =	vor.u32 s17, v2  }
0x5c: {  	vm15 =	veq.s32 v4, v5  }
0x5d: {  	vm0 =	vmand vm0, vm15  }
0x5e: {  	v4 =	vmpcnt.ones.xlane vm0;
	_ =	sdelay $0x1  }
0x5f: {  	[tilespmem:s17+$0xBA18] =	vst.msk vm0, v3;
	v3 =	vxor.u32 $0x80000000, v4  }
0x60: {  	(xrf0) =	vmax.scan.msk.u32 $0xffff, v3  }
0x61: {  	s18 =	simm.s32 $0x10;
	[tilespmem:s17+$0xFA18] =	vst.msk vm0, v5  }
0x62: {  	s19 =	simm.s32 $0x20;
	s20 =	simm.s32 $0x10;
	v3 =	vld [tilespmem:s18+$0x0]  }
.LBB2_4:
0x63: {  	p0 =	sne.s32 s19, $0x3FF0;
	_ =	sdelay $0x2  }
0x64: {  	v4, _, _ =	vpop (xrf0)  }
0x65: {  	v5 =	vsub.s32 v3, v0;
	(v2sf) =	vpush v4, $0xF  }
0x66: {  	vm0 =	vge.s32 v3, v0;
	vm1 =	vlt.s32 v3, v1;
	vm2 =	vgt.s32 v5, $0x0  }
0x67: {  	vm0 =	vmand vm0, vm1;
	v4 =	vnsel vm2, $0x0, v5  }
0x68: {  	v4 =	vmin.u32 v4, $0x7A11;
	_ =	sdelay $0x4  }
0x69: {  	v4 =	vld.idx.msk [tilespmem:v4+s8+$0x0], vm0;
	_ =	sdelay $0x4  }
0x6a: {  	v5 =	vor.u32 s18, v2;
	s18 =	smov.u32 s19  }
0x6b: {  	vm1 =	veq.s32 v4, v5  }
0x6c: {  	vm0 =	vmand vm0, vm1;
	s21 =	spop (v2sf)  }
0x6d: {  	v4 =	vmpcnt.ones.xlane vm0;
	s17 =	sadd.s32 s21, s17  }
.Ltmp3:
0x6e: {  	s17 =	sadd.s32 $0x80000000, s17;
	(pc) =	sbr.rel @p0 .LBB2_4-.Ltmp3, $4  }
0x6f: {  	[tilespmem:s17+$0xBA18] =	vst.msk vm0, v3;
	v3 =	vxor.u32 $0x80000000, v4  }
0x70: {  	[tilespmem:s17+$0xFA18] =	vst.msk vm0, v5;
	(xrf0) =	vmax.scan.msk.u32 $0xffff, v3  }
0x71: {  	s20 =	sadd.s32 $0x10, s20  }
0x72: {  	s19 =	sadd.s32 $0x10, s19;
	v3 =	vld [tilespmem:s20+$0x0]  }
0x73: {  	_ =	sdelay $0x3  }
0x74: {  	v4 =	vsub.s32 v3, v0  }
0x75: {  	vm0 =	vge.s32 v3, v0;
	vm1 =	vlt.s32 v3, v1;
	vm2 =	vgt.s32 v4, $0x0  }
0x76: {  	vm0 =	vmand vm0, vm1;
	v4 =	vnsel vm2, $0x0, v4  }
0x77: {  	v4 =	vmin.u32 v4, $0x7A11;
	_ =	sdelay $0x4  }
0x78: {  	v4 =	vld.idx.msk [tilespmem:v4+s8+$0x0], vm0;
	_ =	sdelay $0x3  }
0x79: {  	v5 =	vor.u32 s18, v2  }
0x7a: {  	vm15 =	veq.s32 v4, v5  }
0x7b: {  	vm0 =	vmand vm0, vm15  }
0x7c: {  	v61 =	vmpcnt.ones.xlane vm0;
	_ =	sdelay $0x1  }
0x7d: {  	v4 =	vxor.u32 $0x80000000, v61  }
0x7e: {  	(xrf0) =	vmax.scan.msk.u32 $0xffff, v4;
	_ =	sdelay $0x3  }
0x7f: {  	v62, _, _ =	vpop (xrf0)  }
0x80: {  	(v2sf) =	vpush v62, $0xF  }
0x81: {  	v63, _, _ =	vpop (xrf0)  }
0x82: {  	(v2sf) =	vpush v63, $0xF;
	_ =	sdelay $0xc  }
0x83: {  	s28 =	spop (v2sf)  }
0x84: {  	s17 =	sadd.s32 s28, s17  }
0x85: {  	s19 =	sadd.s32 $0x80000000, s17;
	s29 =	spop (v2sf)  }
0x86: {  	s17 =	sadd.s32 s29, s19  }
0x87: {  	s17 =	sadd.s32 $0x80000000, s17  }
0x88: {  	s30 =	sadd.s32 $0x7F, s17  }
0x89: {  	s20 =	sand.u32 $0x7F, s30  }
0x8a: {  	s31 =	sshra.s32 s30, $0x1F;
	p1 =	slt.s32 s30, $0x1;
	p0 =	sne.s32 s20, $0x0  }
0x8b: {  	s20 =	sshrl.u32 s31, $0x19;
	p0 =	por !p1, !p0  }
0x8c: {  	s18 =	sadd.s32 s20, s30;
	s20 =	simm.s32 $0x1;
	p0 =	por !p0, !p0  }
0x8d: {  	s18 =	sshra.s32 s18, $0x7;
	s20 =	simm.s32 @!p0 $0x0  }
0x8e: {  	s18 =	ssub.s32 s18, s20  }
0x8f: {  	p0 =	slt.s32 s18, $0x1  }
.Ltmp4:
0x90: {  	_ = 	snop;
	(pc) =	sbr.rel @p0 .LBB2_10-.Ltmp4, $3  }
0x91: {  	_ =	sdelay $0x1  }
0x92: {  	[tilespmem:s19+$0xBA18] =	vst.msk vm0, v3  }
0x93: {  	[tilespmem:s19+$0xFA18] =	vst.msk vm0, v5  }
0x94: {  	p1 =	sne.s32 s18, $0x1  }
.Ltmp5:
0x95: {  	_ = 	snop;
	(pc) =	sbr.rel @!p1 .LBB2_9-.Ltmp5, $4  }
0x96: {  	s17 =	sadd.s32 $0xFFFFFFFF, s17;
	s19 =	simm.s32 $0x0  }
0x97: {  	v3 =	vmov s17;
	v4 =	vor.u32 s19, v2  }
0x98: {  	vm0 =	vlt.s32 v4, v3  }
0x99: {  	s18 =	sadd.s32 $0xFFFFFFFF, s18;
	p0 =	por $0x0, $0x0;
	s17 =	simm.s32 $0x70;
	v4 =	vsel vm0, v4, v3  }
0x9a: {  	_ =	sdelay $0x3  }
0x9b: {  	v5 =	vld.idx.msk [tilespmem:v4+s10+$0x0], $0xffff;
	_ =	sdelay $0x3  }
0x9c: {  	s19 =	simm.s32 $0x10  }
0x9d: {  	[tilespmem:$0x13A18] =	vst v5;
	v5 =	vor.u32 s19, v2  }
0x9e: {  	v4 =	vld.idx.msk [tilespmem:v4+s11+$0x0], $0xffff;
	vm0 =	vlt.s32 v5, v3  }
0x9f: {  	v5 =	vsel vm0, v5, v3;
	_ =	sdelay $0x3  }
0xa0: {  	[tilespmem:$0x13A98] =	vst v4  }
0xa1: {  	v4 =	vld.idx.msk [tilespmem:v5+s10+$0x0], $0xffff;
	_ =	sdelay $0x3  }
0xa2: {  	s25 =	simm.s32 $0x20  }
0xa3: {  	[tilespmem:$0x13A28] =	vst v4;
	v4 =	vor.u32 s25, v2  }
0xa4: {  	v5 =	vld.idx.msk [tilespmem:v5+s11+$0x0], $0xffff;
	vm9 =	vlt.s32 v4, v3  }
0xa5: {  	v4 =	vsel vm9, v4, v3;
	_ =	sdelay $0x3  }
0xa6: {  	[tilespmem:$0x13AA8] =	vst v5  }
0xa7: {  	v5 =	vld.idx.msk [tilespmem:v4+s10+$0x0], $0xffff;
	_ =	sdelay $0x3  }
0xa8: {  	s26 =	simm.s32 $0x30  }
0xa9: {  	[tilespmem:$0x13A38] =	vst v5;
	v5 =	vor.u32 s26, v2  }
0xaa: {  	v4 =	vld.idx.msk [tilespmem:v4+s11+$0x0], $0xffff;
	vm10 =	vlt.s32 v5, v3  }
0xab: {  	v5 =	vsel vm10, v5, v3;
	_ =	sdelay $0x3  }
0xac: {  	[tilespmem:$0x13AB8] =	vst v4  }
0xad: {  	v4 =	vld.idx.msk [tilespmem:v5+s10+$0x0], $0xffff;
	_ =	sdelay $0x3  }
0xae: {  	s28 =	simm.s32 $0x40  }
0xaf: {  	[tilespmem:$0x13A48] =	vst v4;
	v4 =	vor.u32 s28, v2  }
0xb0: {  	v5 =	vld.idx.msk [tilespmem:v5+s11+$0x0], $0xffff;
	vm11 =	vlt.s32 v4, v3  }
0xb1: {  	v4 =	vsel vm11, v4, v3;
	_ =	sdelay $0x3  }
0xb2: {  	[tilespmem:$0x13AC8] =	vst v5  }
0xb3: {  	v5 =	vld.idx.msk [tilespmem:v4+s10+$0x0], $0xffff;
	_ =	sdelay $0x3  }
0xb4: {  	s29 =	simm.s32 $0x50  }
0xb5: {  	[tilespmem:$0x13A58] =	vst v5;
	v5 =	vor.u32 s29, v2  }
0xb6: {  	v4 =	vld.idx.msk [tilespmem:v4+s11+$0x0], $0xffff;
	vm12 =	vlt.s32 v5, v3  }
0xb7: {  	v5 =	vsel vm12, v5, v3;
	_ =	sdelay $0x3  }
0xb8: {  	[tilespmem:$0x13AD8] =	vst v4  }
0xb9: {  	v4 =	vld.idx.msk [tilespmem:v5+s10+$0x0], $0xffff;
	_ =	sdelay $0x3  }
0xba: {  	s30 =	simm.s32 $0x60  }
0xbb: {  	[tilespmem:$0x13A68] =	vst v4;
	v4 =	vor.u32 s30, v2  }
0xbc: {  	v5 =	vld.idx.msk [tilespmem:v5+s11+$0x0], $0xffff;
	vm13 =	vlt.s32 v4, v3  }
0xbd: {  	v4 =	vsel vm13, v4, v3;
	_ =	sdelay $0x3  }
0xbe: {  	[tilespmem:$0x13AE8] =	vst v5  }
0xbf: {  	v5 =	vld.idx.msk [tilespmem:v4+s10+$0x0], $0xffff;
	_ =	sdelay $0x4  }
0xc0: {  	[tilespmem:$0x13A78] =	vst v5;
	v5 =	vor.u32 s17, v2  }
0xc1: {  	v4 =	vld.idx.msk [tilespmem:v4+s11+$0x0], $0xffff;
	vm14 =	vlt.s32 v5, v3  }
0xc2: {  	v5 =	vsel vm14, v5, v3;
	_ =	sdelay $0x3  }
0xc3: {  	[tilespmem:$0x13AF8] =	vst v4  }
0xc4: {  	v4 =	vld.idx.msk [tilespmem:v5+s10+$0x0], $0xffff;
	_ =	sdelay $0x4  }
0xc5: {  	[tilespmem:$0x13A88] =	vst v4  }
0xc6: {  	v4 =	vld.idx.msk [tilespmem:v5+s11+$0x0], $0xffff;
	_ =	sdelay $0x4  }
0xc7: {  	s31 =	simm.s32 $0x80;
	[tilespmem:$0x13B08] =	vst v4  }
0xc8: {  	[tilespmem:s14], [sflag:$0x1] =	stream.indirect.gather [hbm4b:s4+s12], $0x40, s13, s12, $0xb8;
	[tilespmem:$0x15B18] =	vst v63  }
0xc9: {  	p1 =	sne.s32 s18, $0x1;
	v4 =	vor.u32 s31, v2;
	_ =	swait.ge [sflag:s9], $0x2000  }
.Ltmp6:
0xca: {  	vm15 =	vlt.s32 v4, v3;
	[sflag:s9] =	ssyncset.done $0x0;
	(pc) =	sbr.rel @!p1 .LBB2_9-.Ltmp6, $4  }
0xcb: {  	v4 =	vsel vm15, v4, v3;
	[sflag:s9] =	ssyncadd.s32 $0xFFFFE000  }
0xcc: {  	[hbm4b:s1+s12] =	stream.indirect.scatter [tilespmem:s14], [sflag:$0x1], $0x40, s15, s12, $0xb8;
	[tilespmem:$0x15B18] =	vst v63  }
0xcd: {  	s18 =	sadd.s32 $0xFFFFFFFF, s18;
	_ =	swait.ge [sflag:s9], $0x2000  }
0xce: {  	p0 =	por $0x1, $0x1;
	s17 =	simm.s32 $0xF0;
	[sflag:s9] =	ssyncset.done $0x0  }
.LBB2_8:
0xcf: {  	p1 =	sne.s32 s18, $0x1;
	s18 =	sadd.s32 $0xFFFFFFFF, s18;
	[sflag:s9] =	ssyncadd.s32 $0xFFFFE000  }
0xd0: {  	v5 =	vld.idx.msk [tilespmem:v4+s10+$0x0], $0xffff;
	_ =	sdelay $0x5  }
0xd1: {  	s19 =	sadd.s32 $0xFFFFFFA0, s17;
	[tilespmem:$0x13A18] =	vst v5  }
0xd2: {  	v5 =	vor.u32 s19, v2;
	v4 =	vld.idx.msk [tilespmem:v4+s11+$0x0], $0xffff  }
0xd3: {  	vm0 =	vlt.s32 v5, v3  }
0xd4: {  	v5 =	vsel vm0, v5, v3;
	_ =	sdelay $0x3  }
0xd5: {  	[tilespmem:$0x13A98] =	vst v4  }
0xd6: {  	v4 =	vld.idx.msk [tilespmem:v5+s10+$0x0], $0xffff;
	_ =	sdelay $0x5  }
0xd7: {  	s19 =	sadd.s32 $0xFFFFFFB0, s17;
	[tilespmem:$0x13A28] =	vst v4  }
0xd8: {  	v4 =	vld.idx.msk [tilespmem:v5+s11+$0x0], $0xffff;
	v5 =	vor.u32 s19, v2  }
0xd9: {  	vm0 =	vlt.s32 v5, v3  }
0xda: {  	v5 =	vsel vm0, v5, v3;
	_ =	sdelay $0x3  }
0xdb: {  	[tilespmem:$0x13AA8] =	vst v4  }
0xdc: {  	v4 =	vld.idx.msk [tilespmem:v5+s10+$0x0], $0xffff;
	_ =	sdelay $0x5  }
0xdd: {  	s19 =	sadd.s32 $0xFFFFFFC0, s17;
	[tilespmem:$0x13A38] =	vst v4  }
0xde: {  	v4 =	vld.idx.msk [tilespmem:v5+s11+$0x0], $0xffff;
	v5 =	vor.u32 s19, v2  }
0xdf: {  	vm0 =	vlt.s32 v5, v3  }
0xe0: {  	v5 =	vsel vm0, v5, v3;
	_ =	sdelay $0x3  }
0xe1: {  	[tilespmem:$0x13AB8] =	vst v4  }
0xe2: {  	v4 =	vld.idx.msk [tilespmem:v5+s10+$0x0], $0xffff;
	_ =	sdelay $0x5  }
0xe3: {  	s19 =	sadd.s32 $0xFFFFFFD0, s17;
	[tilespmem:$0x13A48] =	vst v4  }
0xe4: {  	v4 =	vld.idx.msk [tilespmem:v5+s11+$0x0], $0xffff;
	v5 =	vor.u32 s19, v2  }
0xe5: {  	vm0 =	vlt.s32 v5, v3  }
0xe6: {  	v5 =	vsel vm0, v5, v3;
	_ =	sdelay $0x3  }
0xe7: {  	[tilespmem:$0x13AC8] =	vst v4  }
0xe8: {  	v4 =	vld.idx.msk [tilespmem:v5+s10+$0x0], $0xffff;
	_ =	sdelay $0x5  }
0xe9: {  	s19 =	sadd.s32 $0xFFFFFFE0, s17;
	[tilespmem:$0x13A58] =	vst v4  }
0xea: {  	v4 =	vld.idx.msk [tilespmem:v5+s11+$0x0], $0xffff;
	v5 =	vor.u32 s19, v2  }
0xeb: {  	vm0 =	vlt.s32 v5, v3  }
0xec: {  	v5 =	vsel vm0, v5, v3;
	_ =	sdelay $0x3  }
0xed: {  	[tilespmem:$0x13AD8] =	vst v4  }
0xee: {  	v4 =	vld.idx.msk [tilespmem:v5+s10+$0x0], $0xffff;
	_ =	sdelay $0x5  }
0xef: {  	s19 =	sadd.s32 $0xFFFFFFF0, s17;
	[tilespmem:$0x13A68] =	vst v4  }
0xf0: {  	v4 =	vld.idx.msk [tilespmem:v5+s11+$0x0], $0xffff;
	v5 =	vor.u32 s19, v2  }
0xf1: {  	vm0 =	vlt.s32 v5, v3  }
0xf2: {  	v5 =	vsel vm0, v5, v3;
	_ =	sdelay $0x3  }
0xf3: {  	[tilespmem:$0x13AE8] =	vst v4  }
0xf4: {  	v4 =	vld.idx.msk [tilespmem:v5+s10+$0x0], $0xffff;
	_ =	sdelay $0x5  }
0xf5: {  	[tilespmem:$0x13A78] =	vst v4  }
0xf6: {  	v4 =	vld.idx.msk [tilespmem:v5+s11+$0x0], $0xffff;
	v5 =	vor.u32 s17, v2  }
0xf7: {  	vm0 =	vlt.s32 v5, v3  }
0xf8: {  	v5 =	vsel vm0, v5, v3;
	_ =	sdelay $0x3  }
0xf9: {  	[tilespmem:$0x13AF8] =	vst v4  }
0xfa: {  	v4 =	vld.idx.msk [tilespmem:v5+s10+$0x0], $0xffff;
	_ =	sdelay $0x5  }
0xfb: {  	[tilespmem:$0x13A88] =	vst v4  }
0xfc: {  	v4 =	vld.idx.msk [tilespmem:v5+s11+$0x0], $0xffff;
	_ =	sdelay $0x4  }
0xfd: {  	s17 =	sadd.s32 $0x80, s17  }
0xfe: {  	s19 =	sadd.s32 $0xFFFFFF90, s17;
	[tilespmem:$0x13B08] =	vst v4  }
0xff: {  	[tilespmem:s14], [sflag:$0x1] =	stream.indirect.gather [hbm4b:s4+s12], $0x40, s13, s12, $0xb8;
	[tilespmem:$0x15B18] =	vst v63  }
0x100: {  	v4 =	vor.u32 s19, v2;
	_ =	swait.ge [sflag:s9], $0x2000  }
.Ltmp7:
0x101: {  	vm0 =	vlt.s32 v4, v3;
	[sflag:s9] =	ssyncset.done $0x0;
	(pc) =	sbr.rel @p1 .LBB2_8-.Ltmp7, $4  }
0x102: {  	v4 =	vsel vm0, v4, v3;
	[sflag:s9] =	ssyncadd.s32 $0xFFFFE000  }
0x103: {  	[hbm4b:s1+s12] =	stream.indirect.scatter [tilespmem:s14], [sflag:$0x1], $0x40, s15, s12, $0xb8;
	[tilespmem:$0x15B18] =	vst v63  }
0x104: {  	_ =	swait.ge [sflag:s9], $0x2000  }
0x105: {  	[sflag:s9] =	ssyncset.done $0x0  }
.Ltmp8:
0x106: {  	_ = 	snop;
	(pc) =	sbr.rel .LBB2_9-.Ltmp8, $1  }
0x107: {  	_ =	sdelay $0x3  }
.LBB2_11:
0x108: {  	_ =	sfence.sel $0x180000  }
0x109: {  	[bflag:$0x0] =	sbarrier.arrive $0xFFFF  }
0x10a: {  	p0 =	sne.s32 s0, $0x0;
	_ =	strace $0x90000047  }
0x10b: {  	s0 =	sadd.s32 @!p0 $0x100000, s2;
	[bflag:$0x2] =	sbarrier.arrive $0xFFFF  }
0x10c: {  	[sflag:s0] =	ssyncadd.tile.s32 @!p0 $0x1;
	_ =	shalt  }
.Lfunc_end2:
_tile_overlayer_lowered:
.L_overlay_start_2:
0x10d: {  	(tag) =	ssettag $0x2  }
0x10e: {  	s0 =	rddreg [dreg:$0x0];
	s2 =	stileid.u32  }
0x10f: {  	s1 =	rddreg [dreg:$0x1];
	p0 =	sne.s32 s2, $0x0  }
0x110: {  	s3 =	rddreg [dreg:$0x2];
	[bflag:$0x3] =	sbarrier.arrive $0xFFFF;
	s2 =	simm.s32 @!p0 $0x1C02  }
0x111: {  	[timem:s3], [sflag:s2] =	dma.local @!p0 [hbm:s0], s1  }
0x112: {  	s0 =	simm.s32 @!p0 $0x2  }
0x113: {  	_ =	swait.ge @!p0 [sflag:s0], s1  }
0x114: {  	s1 =	ssub.s32 @!p0 $0x0, s1;
	[sflag:s0] =	ssyncset.done @!p0 $0x0  }
0x115: {  	[sflag:s0] =	ssyncadd.s32 @!p0 s1  }
0x116: {  	[bflag:$0x3] =	sbarrier.arrive $0xFFFF  }
0x117: {  	_ =	shalt  }

// kernel: sparse-core-data-format-call.cloned.1.call-start
scs
called_computation_lowered:
.L_overlay_start_0:
0x0: {  	s2 =	sld [smem:$0x3FD9]  }
0x1: {  	s3 =	sld [smem:$0x3FFE];
	_ =	sdelay $0x1  }
0x2: {  	s1 =	srdreg.scid  }
0x3: {  	s0 =	sand.u32 $0x1, s1  }
0x4: {  	s18 =	sshll.u32 s0, $0xA;
	s2 =	sadd.s32 s3, s2  }
0x5: {  	s2 =	sadd.s32 s2, s18  }
0x6: {  	[smem:$0x3FC5] =	sst s2  }
0x7: {  	_ = 	snop  }
0x8: {  	s2 =	sld [smem:$0x3FD0];
	(tm) =	ssettm $0x1  }
0x9: {  	s19 =	sld [smem:$0x3FFB];
	_ =	sdelay $0x3  }
0xa: {  	_ =	strace s19  }
0xb: {  	s3 =	sld [smem:$0x3FFC];
	_ =	sdelay $0x3  }
0xc: {  	_ =	strace s3  }
0xd: {  	s3 =	sld [smem:$0x3FFD];
	_ =	sdelay $0x3  }
0xe: {  	_ =	strace s3  }
0xf: {  	_ =	strace $0x8FFFFFFF  }
0x10: {  	s20 =	sld [smem:$0x3FDB];
	_ =	sdelay $0x1  }
0x11: {  	s4 =	simm.s32 $_scs_section_size  }
0x12: {  	s5 =	simm.s32 $_size__tile_overlayer_lowered;
	s6 =	simm.s32 $_tile_overlayer_lowered  }
0x13: {  	s23 =	simm.s32 $0x1BFF;
	s22 =	sshll.u32 s6, $0x1;
	s3 =	sadd.s32 s4, s20  }
0x14: {  	s7 =	simm.s32 $0x0;
	s21 =	sshll.u32 s5, $0x1;
	s5 =	sadd.s32 s22, s3  }
0x15: {  	[timem:s7], [sflag:s23] =	dma.local [hbm:s5], s21  }
0x16: {  	_ =	swait.ge [sflag:s23], s21  }
0x17: {  	s4 =	ssub.s32 $0x0, s21;
	[sflag:s23] =	ssyncset.done $0x0  }
0x18: {  	[sflag:s23] =	ssyncadd.s32 s4;
	_ =	sdelay $0x1  }
0x19: {  	s24 =	simm.s32 $0x1B8B  }
0x1a: {  	_ =	swait.ge [sflag:s24], $0x1  }
0x1b: {  	[sflag:s24] =	ssyncset.done $0x0  }
0x1c: {  	s26 =	simm.s32 $0x1B8E;
	s25 =	sld [smem:$0x3FFE];
	[sflag:s24] =	ssyncadd.s32 $0xFFFFFFFF  }
0x1d: {  	s27 =	simm.s32 $execute0_lowered;
	[smem:$0x3FD2] =	sst s26  }
0x1e: {  	s5 =	sshll.u32 s27, $0x1;
	_ =	strace $0x80000049;
	[dreg:$0x1] =	wrdreg $0xFFFFFFFF  }
0x1f: {  	s28 =	simm.s32 $_size_execute0_lowered;
	s3 =	sadd.s32 s3, s5;
	[dreg:$0x0] =	wrdreg $0x0  }
0x20: {  	s5 =	sshll.u32 s28, $0x1;
	[dreg:$0x2] =	wrdreg s3  }
0x21: {  	[dreg:$0x3] =	wrdreg s5  }
0x22: {  	[dreg:$0x4] =	wrdreg $0xC0  }
0x23: {  	_ =	task [dreg:s7], $0x5FFFF  }
0x24: {  	[dreg:$0x1] =	wrdreg $0xFFFFFFFF  }
0x25: {  	[dreg:$0x0] =	wrdreg $0x60  }
0x26: {  	[dreg:$0x2] =	wrdreg s25  }
0x27: {  	[dreg:$0x3] =	wrdreg s2  }
0x28: {  	[dreg:$0x4] =	wrdreg $0x9  }
0x29: {  	_ =	task.clear_ibuf [dreg:s7], $0x5FFFF;
	_ =	strace $0x90000049  }
0x2a: {  	s29 =	simm.s32 $0x9;
	_ =	strace $0x8000004B  }
0x2b: {  	_ =	swait.ge [sflag:s29], $0x1  }
0x2c: {  	[sflag:s29] =	ssyncadd.s32 $0xFFFFFFFF  }
0x2d: {  	_ =	strace $0x9000004B  }
0x2e: {  	_ =	sfence  }
0x2f: {  	s30 =	sld [smem:$0x0];
	_ =	sdelay $0x2  }
0x30: {  	s31 =	sshll.u32 s1, $0xD;
	s1 =	sshrl.u32 s1, $0x2  }
0x31: {  	s3 =	sand.u32 $0x4000, s31;
	s1 =	sadd.s32 s1, s30  }
0x32: {  	s0 =	sor.u32 s3, s0;
	s1 =	sshll.u32 s1, $0x11  }
0x33: {  	s0 =	sor.u32 s1, s0  }
0x34: {  	s0 =	sadd.s32 $0x8F2B, s0  }
0x35: {  	[sflag:s0] =	ssyncadd.remote.s32 $0x1  }
0x36: {  	_ =	sfence.sel $0xFFFF  }
0x37: {  	[dreg:$0x0] =	wrdreg $0xFFFFFFFF;
	(pc) =	sbr.abs _section_cstart, $3  }
0x38: {  	[dreg:$0x1] =	wrdreg $0xFFFFFFFF  }
0x39: {  	_ =	task.clear_ibuf [dreg:s7], $0x2FFFF;
	_ =	strace $0x9FFFFFFF  }
0x3a: {  	(tm) =	ssettm $0x7FFFFFFF  }
0x3b: {  	_ =	shalt  }
tec
execute0_lowered:
.L_overlay_start_1:
0x0: {  	(tag) =	ssettag $0x1  }
0x1: {  	s4 =	rddreg [dreg:$0x0]  }
0x2: {  	s0 =	srdreg.scid;
	s2 =	rddreg [dreg:$0x1]  }
0x3: {  	s1 =	stileid.u32;
	s5 =	simm.s32 $0x1;
	s0 =	sshll.u32 s0, $0x4  }
0x4: {  	s7 =	simm.s32 $0x2;
	s11 =	simm.s32 $0x0;
	s3 =	sand.u32 $0x10, s0  }
.Ltmp0:
0x5: {  	p0 =	por $0x0, $0x0;
	s3 =	sor.u32 s1, s3;
	(pc) =	sbr.rel .LBB1_1-.Ltmp0, $4  }
0x6: {  	s8 =	simm.s32 $0x7A1400;
	s10 =	simm.s32 $0x0;
	s3 =	sshll.u32 s3, $0x7  }
0x7: {  	s0 =	rddreg [dreg:$0x2];
	_ =	strace $0x8000004A;
	s6 =	ssub.s32 $0xF4200, s3  }
0x8: {  	s4 =	sadd.s32 $0xA00, s4;
	[sflag:s5] =	ssyncpa.u1 $0x0;
	s6 =	sshrl.u32 s6, $0xC  }
0x9: {  	[sflag:s7] =	ssyncpa.u1 $0x0;
	s9 =	smov.u32 s3;
	s7 =	sadd.s32 $0x2, s6  }
.LBB1_5:
0xa: {  	s13 =	sadd.s32 $0x1000, s9  }
0xb: {  	p2 =	sgt.s32 s13, $0xF423F  }
0xc: {  	s13 =	smov.u32 @p2 s3;
	p2 =	sne.s32 s10, s7  }
.Ltmp1:
0xd: {  	p1 =	slt.u32 s10, $0x2;
	(pc) =	sbr.rel @!p2 .LBB1_6-.Ltmp1, $4  }
0xe: {  	s12 =	simm.s32 @!p1 $0x2  }
0xf: {  	s14 =	sadd.s32 $0x1, s10;
	_ =	swait.ge @!p1 [sflag:s12], $0x2000  }
0x10: {  	s11 =	smov.u32 s9;
	p0 =	por !p0, !p0;
	[sflag:s12] =	ssyncset.done @!p1 $0x0  }
0x11: {  	s10 =	smov.u32 s14;
	s9 =	smov.u32 s13;
	[sflag:s12] =	ssyncadd.s32 @!p1 $0xFFFFE000  }
.LBB1_1:
0x12: {  	p1 =	sgt.u32 s10, s6  }
0x13: {  	s13 =	smov.u32 s9;
	p2 =	sgt.s32 @!p1 s9, $0xF41C0  }
0x14: {  	s12 =	sand.u32 @!p1 $0x1FFFFFF, s9;
	s14 =	sshra.s32 @!p1 s9, $0x1F;
	p2 =	por !p2, p1  }
0x15: {  	s15 =	smulhi.u32 @!p1 $0x218DEF5, s12;
	s14 =	sand.u32 @!p1 s14, s9;
	s13 =	simm.s32 @p2 $0xF41C0  }
0x16: {  	s13 =	ssub.s32 @!p1 s13, s14  }
0x17: {  	s14 =	sshrl.u32 @!p1 s15, $0xD;
	s13 =	sadd.s32 @!p1 $0xFFF0BE40, s13  }
0x18: {  	s15 =	sxor.u32 @!p1 $0xFFFFFFFF, s10;
	s14 =	smul.u32 @!p1 $0xF4240, s14;
	s16 =	sshll.u32 @!p1 s13, $0x8  }
0x19: {  	s15 =	sshll.u32 @!p1 s15, $0xD;
	p2 =	sgt.s32 @!p1 s13, $0x7F;
	s13 =	ssub.s32 @!p1 $0x8000, s16  }
0x1a: {  	s12 =	ssub.s32 @!p1 s12, s14;
	p2 =	por !p2, p1;
	s14 =	sand.u32 @!p1 $0x2000, s15  }
0x1b: {  	s15 =	simm.s32 @!p1 $0x40;
	s13 =	sshrl.u32 @!p1 s13, $0x2;
	s12 =	sshll.u32 @!p1 s12, $0x4  }
0x1c: {  	s16 =	simm.s32 @!p1 $0x80;
	s13 =	simm.s32 @!p2 $0x0;
	s12 =	sadd.s32 @!p1 s4, s12  }
0x1d: {  	[tilespmem:s14], [sflag:$0x1] =	stream.strided.gather @!p1 [hbm4b:s12+s15], s13, s16, s15, $0x38;
	[tilespmem:$0x8080] =	vst v63  }
0x1e: {  	p1 =	seq.s32 s10, $0x0  }
0x1f: {  	p2 =	sge.u32 @!p1 s10, s7  }
0x20: {  	p1 =	por p1, p2  }
.Ltmp2:
0x21: {  	_ = 	snop;
	(pc) =	sbr.rel @p1 .LBB1_5-.Ltmp2, $1  }
0x22: {  	_ =	sdelay $0x3  }
0x23: {  	p1 =	sgt.s32 s11, $0xF41C0;
	s12 =	smov.u32 s11;
	s13 =	sshra.s32 s11, $0x1F  }
0x24: {  	s12 =	simm.s32 @!p1 $0xF41C0;
	s13 =	sand.u32 s13, s11  }
0x25: {  	s12 =	ssub.s32 s12, s13  }
0x26: {  	s12 =	sadd.s32 $0xFFF0BE40, s12  }
0x27: {  	s28 =	sshll.u32 s12, $0x8  }
0x28: {  	s13 =	ssub.s32 $0x8000, s28  }
0x29: {  	p1 =	sgt.s32 s12, $0x7F;
	s12 =	sshrl.u32 s13, $0x2  }
0x2a: {  	s13 =	simm.s32 $0x1;
	s12 =	simm.s32 @p1 $0x0  }
0x2b: {  	s13 =	simm.s32 @!p0 $0x0;
	_ =	swait.ge [sflag:s5], s12  }
0x2c: {  	s14 =	sshll.u32 s13, $0xD;
	s12 =	ssub.s32 $0x0, s12;
	[sflag:s5] =	ssyncset.done $0x0  }
0x2d: {  	s16 =	sor.u32 $0x20, s14;
	[sflag:s5] =	ssyncadd.s32 s12  }
0x2e: {  	s29 =	smul.u32 $0x8100, s13;
	v3 =	vld [tilespmem:s16+$0x10]  }
0x2f: {  	s30 =	sand.u32 $0x1, s10;
	v2 =	vld [tilespmem:s16+$0xFFFFFFF0]  }
0x30: {  	s13 =	smul.u32 $0x8100, s30;
	s12 =	sshrl.u32 s29, $0x2;
	v0 =	vld [tilespmem:s16+$0x0]  }
0x31: {  	s14 =	sor.u32 $0x4000, s12;
	v1 =	vld [tilespmem:s16+$0xFFFFFFE0]  }
0x32: {  	s31 =	sshrl.u32 s13, $0x2;
	s13 =	sadd.s32 $0x0, s14  }
0x33: {  	s15 =	simm.s32 $0x4;
	s12 =	sor.u32 $0x4000, s31;
	s16 =	sadd.s32 $0x40, s16;
	[tilespmem:s13+$0x1830 ss:$0x81] =	vst.msk $0xffff, v3  }
.LBB1_3:
0x34: {  	v3 =	vld [tilespmem:s16+$0x10];
	p1 =	sne.s32 s15, $0x1FC;
	[tilespmem:s13+$0x810 ss:$0x81] =	vst.msk $0xffff, v2;
	s17 =	smov.u32 s15;
	s15 =	sadd.s32 $0x4, s15  }
.Ltmp3:
0x35: {  	v2 =	vld [tilespmem:s16+$0xFFFFFFF0];
	[tilespmem:s13+$0x1020 ss:$0x81] =	vst.msk $0xffff, v0;
	(pc) =	sbr.rel @p1 .LBB1_3-.Ltmp3, $4  }
0x36: {  	v0 =	vld [tilespmem:s16+$0x0];
	[tilespmem:s13+$0x0 ss:$0x81] =	vst.msk $0xffff, v1  }
0x37: {  	s13 =	sshra.s32 s17, $0x2;
	v1 =	vld [tilespmem:s16+$0xFFFFFFE0]  }
0x38: {  	s13 =	sadd.s32 s13, s14  }
0x39: {  	s16 =	sadd.s32 $0x40, s16;
	[tilespmem:s13+$0x1830 ss:$0x81] =	vst.msk $0xffff, v3  }
0x3a: {  	s14 =	sshll.u32 s11, $0x3  }
0x3b: {  	s30 =	sand.u32 $0x7F, s11;
	s14 =	sand.u32 $0xFFFFFC00, s14  }
0x3c: {  	s11 =	sor.u32 s30, s14  }
0x3d: {  	s15 =	smulhi.u32 $0x218D6287, s11;
	_ =	sdelay $0x1  }
0x3e: {  	s14 =	smulhi.u32 $0x218D6287, s14;
	s15 =	sshrl.u32 s15, $0x11  }
0x3f: {  	s15 =	smul.u32 $0xF4280, s15  }
0x40: {  	s14 =	sshrl.u32 s14, $0x11  }
.Ltmp4:
0x41: {  	s14 =	sand.u32 $0x3F, s14;
	s11 =	ssub.s32 s11, s15;
	(pc) =	sbr.rel .LBB1_5-.Ltmp4, $4  }
0x42: {  	[tilespmem:s13+$0x810 ss:$0x81] =	vst.msk $0xffff, v2;
	s14 =	smul.u32 $0x1E850, s14;
	s15 =	sshrl.u32 s11, $0x3;
	s11 =	sand.u32 $0x7, s11  }
0x43: {  	[tilespmem:s13+$0x1020 ss:$0x81] =	vst.msk $0xffff, v0;
	s15 =	sadd.s32 s2, s15;
	s11 =	sshll.u32 s11, $0x12  }
0x44: {  	[tilespmem:s13+$0x0 ss:$0x81] =	vst.msk $0xffff, v1;
	s31 =	sadd.s32 s14, s15;
	s11 =	sor.u32 $0x400, s11  }
0x45: {  	[hbm4b:s31+s11] =	stream.strided.scatter [tilespmem:s12], [sflag:$0x2], $0x2000, s8, s11, $0x20;
	[tilespmem:$0x8080] =	vst v63  }
.LBB1_6:
0x46: {  	_ =	sfence.sel $0x180000  }
0x47: {  	s2 =	simm.s32 $0x1;
	[bflag:$0x0] =	sbarrier.arrive $0xFFFF  }
0x48: {  	s31 =	simm.s32 $0x2;
	[sflag:s2] =	ssyncpa.u1 $0x1  }
0x49: {  	[sflag:s31] =	ssyncpa.u1 $0x1  }
0x4a: {  	p0 =	sne.s32 s1, $0x0;
	_ =	strace $0x9000004A  }
0x4b: {  	s0 =	sadd.s32 @!p0 $0x100000, s0;
	[bflag:$0x2] =	sbarrier.arrive $0xFFFF  }
0x4c: {  	[sflag:s0] =	ssyncadd.tile.s32 @!p0 $0x1;
	_ =	shalt  }
.Lfunc_end1:
_tile_overlayer_lowered:
.L_overlay_start_2:
0x4d: {  	(tag) =	ssettag $0x2  }
0x4e: {  	s0 =	rddreg [dreg:$0x0];
	s2 =	stileid.u32  }
0x4f: {  	s1 =	rddreg [dreg:$0x1];
	p0 =	sne.s32 s2, $0x0  }
0x50: {  	s3 =	rddreg [dreg:$0x2];
	[bflag:$0x3] =	sbarrier.arrive $0xFFFF;
	s2 =	simm.s32 @!p0 $0x1C01  }
0x51: {  	[timem:s3], [sflag:s2] =	dma.local @!p0 [hbm:s0], s1  }
0x52: {  	s0 =	simm.s32 @!p0 $0x1  }
0x53: {  	_ =	swait.ge @!p0 [sflag:s0], s1  }
0x54: {  	s1 =	ssub.s32 @!p0 $0x0, s1;
	[sflag:s0] =	ssyncset.done @!p0 $0x0  }
0x55: {  	[sflag:s0] =	ssyncadd.s32 @!p0 s1  }
0x56: {  	[bflag:$0x3] =	sbarrier.arrive $0xFFFF  }
0x57: {  	_ =	shalt  }

</sc_bundles>
